<compile_context>
chip_gen: v7x
topology: tpu7x:2x2x1
jax: 0.10.2.dev20260603
libtpu: 0.0.44.dev20260713+nightly
codegen_flags: <defaults>
</compile_context>

<pallas_src>
import jax
import jax.numpy as jnp
from jax import lax
from jax.experimental import pallas as pl
from jax.experimental.pallas import tpu as pltpu
from jax.experimental.pallas import tpu_sc as plsc

VOCAB = 22
MAX_LEN = 200
AA_DIM = 128
POS_DIM = 64
BLO_DIM = 22
PC_DIM = 7
FUSED = AA_DIM + POS_DIM + BLO_DIM + PC_DIM
ODD_W = FUSED - 128
ENTRIES = MAX_LEN * VOCAB
B, L = 1024, 200
ROWS = B * L

NUM_CORES = 2
NUM_SUBCORES = 16
NW = NUM_CORES * NUM_SUBCORES
R_PER_W = ROWS // NW
VGRP = R_PER_W // 16
CHUNK = 128
NCHUNK = R_PER_W // CHUNK

B_BLK = 8
OUT_BLK = B_BLK * MAX_LEN
N_BLK = B // B_BLK


def _table_body(aa_ref, pos_ref, blo_ref, pc_ref, even_ref, odd_ref):
    aa = aa_ref[...]
    pos = pos_ref[...]
    blo = blo_ref[...]
    pc = pc_ref[...]
    r2d_l = jax.lax.broadcasted_iota(jnp.int32, (ENTRIES, MAX_LEN), 0) // VOCAB
    j2d_l = jax.lax.broadcasted_iota(jnp.int32, (ENTRIES, MAX_LEN), 1)
    oh_l = (r2d_l == j2d_l).astype(jnp.float32)
    r2d_v = jax.lax.broadcasted_iota(jnp.int32, (ENTRIES, VOCAB), 0) % VOCAB
    j2d_v = jax.lax.broadcasted_iota(jnp.int32, (ENTRIES, VOCAB), 1)
    oh_v = (r2d_v == j2d_v).astype(jnp.float32)

    hi = jax.lax.Precision.HIGHEST
    even_ref[...] = jnp.dot(oh_v, aa, precision=hi,
                            preferred_element_type=jnp.float32)
    p_half = jnp.concatenate(
        [pos, jnp.zeros((MAX_LEN, 128 - POS_DIM), jnp.float32)], axis=1)
    q_half = jnp.concatenate(
        [jnp.zeros((VOCAB, POS_DIM), jnp.float32), blo, pc,
         jnp.zeros((VOCAB, 128 - ODD_W), jnp.float32)], axis=1)
    odd_ref[...] = (jnp.dot(oh_l, p_half, precision=hi,
                            preferred_element_type=jnp.float32)
                    + jnp.dot(oh_v, q_half, precision=hi,
                              preferred_element_type=jnp.float32))


def _build_tables(aa_table, pos_table, blo_table, pc_table):
    return pl.pallas_call(
        _table_body,
        out_shape=(jax.ShapeDtypeStruct((ENTRIES, 128), jnp.float32),
                   jax.ShapeDtypeStruct((ENTRIES, 128), jnp.float32)),
    )(aa_table, pos_table, blo_table, pc_table)


def _sc_body(te_hbm, to_hbm, seq_hbm, out_hbm,
             seq_v, idx_v, be0, be1, bo0, bo1, gsem, wsem):
    wid = lax.axis_index("s") * NUM_CORES + lax.axis_index("c")
    base = wid * R_PER_W

    pltpu.sync_copy(seq_hbm.at[pl.ds(base, R_PER_W)], seq_v)

    def idx_body(g, _):
        i0 = g * 16
        s16 = seq_v[pl.ds(i0, 16)]
        ivec = i0 + lax.iota(jnp.int32, 16)
        lpos = lax.rem(ivec, MAX_LEN)
        idx_v[pl.ds(i0, 16)] = lpos * VOCAB + s16
        return 0

    lax.fori_loop(0, VGRP, idx_body, 0)

    bufs = ((be0, bo0), (be1, bo1))

    def fire(c, slot):
        isl = idx_v.at[pl.ds(c * CHUNK, CHUNK)]
        pltpu.async_copy(te_hbm.at[isl], bufs[slot][0], gsem)
        pltpu.async_copy(to_hbm.at[isl], bufs[slot][1], gsem)

    def wait_pair(slot):
        pltpu.make_async_copy(te_hbm.at[idx_v.at[pl.ds(0, CHUNK)]],
                              bufs[slot][0], gsem).wait()
        pltpu.make_async_copy(to_hbm.at[idx_v.at[pl.ds(0, CHUNK)]],
                              bufs[slot][1], gsem).wait()

    def write(c, slot):
        r0 = base + c * CHUNK
        pltpu.sync_copy(bufs[slot][0],
                        out_hbm.at[pl.ds(r0, CHUNK), pl.ds(0, 128)])
        pltpu.sync_copy(bufs[slot][1],
                        out_hbm.at[pl.ds(r0, CHUNK), pl.ds(128, 128)])

    fire(0, 0)

    def pipe_body(i, _):
        c = 2 * i
        fire(c + 1, 1)
        wait_pair(0)
        write(c, 0)

        @pl.when(c + 2 < NCHUNK)
        def _():
            fire(c + 2, 0)

        wait_pair(1)
        write(c + 1, 1)
        return 0

    lax.fori_loop(0, NCHUNK // 2, pipe_body, 0)


def _sc_gather():
    mesh = plsc.VectorSubcoreMesh(core_axis_name="c", subcore_axis_name="s")
    return pl.kernel(
        _sc_body,
        mesh=mesh,
        compiler_params=pltpu.CompilerParams(needs_layout_passes=False),
        out_type=jax.ShapeDtypeStruct((ROWS, 256), jnp.float32),
        scratch_types=[
            pltpu.VMEM((R_PER_W,), jnp.int32),
            pltpu.VMEM((R_PER_W,), jnp.int32),
            pltpu.VMEM((CHUNK, 128), jnp.float32),
            pltpu.VMEM((CHUNK, 128), jnp.float32),
            pltpu.VMEM((CHUNK, 128), jnp.float32),
            pltpu.VMEM((CHUNK, 128), jnp.float32),
            pltpu.SemaphoreType.DMA,
            pltpu.SemaphoreType.DMA,
        ],
    )


def kernel(sequences, aa_table, pos_table, blo_table, pc_table):
    te, to = _build_tables(aa_table, pos_table, blo_table, pc_table)
    seq_flat = sequences.reshape(ROWS).astype(jnp.int32)
    out256 = _sc_gather()(te, to, seq_flat)
    return out256[:, :FUSED].reshape(B, L, FUSED)

# --- scband reference (transcript-rebuilt; emitter-appended) ---
"""Pipeline reference for scband-embedding-46420006535513 (READ-ONLY COPY).

The authoritative reference and input builder live on the scoring server;
editing this copy changes nothing except your own understanding.
"""

import jax, jax.numpy as jnp
import numpy as np

VOCAB = 22
MAX_LEN = 200
AA_DIM = 128
POS_DIM = 64
BLO_DIM = 22   # BLOSUM substitution-row embedding (one row per residue type)
PC_DIM = 7     # physicochemical property embedding
B, L = 1024, 200


def setup_inputs(seed: int = 0) -> dict:
    key = jax.random.key(seed)
    k1, k2, k3, k4, k5 = jax.random.split(key, 5)
    sequences = jax.random.randint(k1, (B, L), 0, VOCAB, dtype=jnp.int64 if jax.config.jax_enable_x64 else jnp.int32)
    aa_table = jax.random.normal(k2, (VOCAB, AA_DIM), dtype=jnp.float32)
    pos_table = jax.random.normal(k3, (MAX_LEN, POS_DIM), dtype=jnp.float32)
    blo_table = jax.random.normal(k4, (VOCAB, BLO_DIM), dtype=jnp.float32)   # frozen BLOSUM-derived table
    pc_table = jax.random.normal(k5, (VOCAB, PC_DIM), dtype=jnp.float32)     # frozen physicochemical table
    return {
        "sequences": sequences,
        "aa_table": aa_table,
        "pos_table": pos_table,
        "blo_table": blo_table,
        "pc_table": pc_table,
    }


def reference(sequences, aa_table, pos_table, blo_table, pc_table):
    b, l = sequences.shape
    # AminoacidEmbedding: learned token embedding lookup
    x1 = jnp.take(aa_table, sequences, axis=0)                       # [B, L, AA_DIM]
    # PositionalEmbedding: position-indexed lookup, broadcast over batch
    pos_ids = jnp.arange(l)
    x2 = jnp.broadcast_to(jnp.take(pos_table, pos_ids, axis=0)[None, :, :], (b, l, pos_table.shape[1]))  # [B, L, POS_DIM]
    # BlosumEmbedding: frozen substitution-matrix row lookup
    x3 = jnp.take(blo_table, sequences, axis=0)                      # [B, L, BLO_DIM]
    # PhyChemEnbedding: frozen physicochemical property lookup
    x4 = jnp.take(pc_table, sequences, axis=0)                       # [B, L, PC_DIM]
    x = jnp.concatenate((x1, x2, x3, x4), axis=2)                    # [B, L, 221]
    # dropout in eval/inference mode is identity
    return x

if __name__ == "__main__":
    import jax
    _d = setup_inputs()
    print(jax.jit(kernel)(*tuple(_d.values())))

</pallas_src>

<mosaic_0001>
#map = affine_map<(d0, d1) -> (0, 0)>
#map1 = affine_map<(d0, d1) -> (0)>
module attributes {stable_mosaic.version = 14 : i64} {
  func.func @_sc_body(%arg0: i32, %arg1: i32, %arg2: memref<4400x128xf32, #tpu.memory_space<hbm>>, %arg3: memref<4400x128xf32, #tpu.memory_space<hbm>>, %arg4: memref<204800xi32, #tpu.memory_space<hbm>>, %arg5: memref<204800x256xf32, #tpu.memory_space<hbm>>, %arg6: memref<6400xi32, #tpu.memory_space<vmem>>, %arg7: memref<6400xi32, #tpu.memory_space<vmem>>, %arg8: memref<128x128xf32, #tpu.memory_space<vmem>>, %arg9: memref<128x128xf32, #tpu.memory_space<vmem>>, %arg10: memref<128x128xf32, #tpu.memory_space<vmem>>, %arg11: memref<128x128xf32, #tpu.memory_space<vmem>>, %arg12: memref<!tpu.dma_semaphore, #tpu.memory_space<semaphore_mem>>, %arg13: memref<!tpu.dma_semaphore, #tpu.memory_space<semaphore_mem>>) attributes {dimension_semantics = [#tpu.dimension_semantics<core_parallel>, #tpu.dimension_semantics<subcore_parallel>], iteration_bounds = array<i64: 2, 16>, scalar_prefetch = 0 : i64, scratch_operands = 8 : i64, tpu.core_type = #tpu.core_type<sc_vector_subcore>, window_params = [{transform_indices = #map}, {transform_indices = #map}, {transform_indices = #map1}, {transform_indices = #map}]} {
    %mul3A = arith.constant 2 : i32
    %mul3A_0 = arith.muli %arg1, %mul3A : i32
    %add3A = arith.addi %mul3A_0, %arg0 : i32
    %mul3A_1 = arith.constant 6400 : i32
    %mul3A_2 = arith.muli %add3A, %mul3A_1 : i32
    "tpu.region"() ({
      %run_scoped3A = tpu.sem_alloc : memref<!tpu.dma_semaphore, #tpu.memory_space<semaphore_mem>>
      %dma_start3A_25 = tpu.memref_slice %arg4[%mul3A_2] : memref<204800xi32, #tpu.memory_space<hbm>> -> memref<6400xi32, #tpu.memory_space<hbm>>
      %dma_start3A_26 = tpu.memref_slice %arg4[%mul3A_2] : memref<204800xi32, #tpu.memory_space<hbm>> -> memref<6400xi32, #tpu.memory_space<hbm>>
      tpu.enqueue_dma source(%dma_start3A_26 : memref<6400xi32, #tpu.memory_space<hbm>>) target(%arg6 : memref<6400xi32, #tpu.memory_space<vmem>>) target_semaphore(%run_scoped3A : memref<!tpu.dma_semaphore, #tpu.memory_space<semaphore_mem>>)
      %dma_wait3A = tpu.memref_slice %arg4[%mul3A_2] : memref<204800xi32, #tpu.memory_space<hbm>> -> memref<6400xi32, #tpu.memory_space<hbm>>
      %dma_wait3A_27 = tpu.memref_slice %arg4[%mul3A_2] : memref<204800xi32, #tpu.memory_space<hbm>> -> memref<6400xi32, #tpu.memory_space<hbm>>
      tpu.wait_dma2 semaphore(%run_scoped3A : memref<!tpu.dma_semaphore, #tpu.memory_space<semaphore_mem>>) src(%dma_wait3A_27 : memref<6400xi32, #tpu.memory_space<hbm>>) dst(%arg6 : memref<6400xi32, #tpu.memory_space<vmem>>)
      tpu.yield
    }) : () -> ()
    %scan3A = arith.constant 0 : i32
    %scan3A_3 = arith.constant 0 : i32
    %scan3A_4 = arith.constant 400 : i32
    %scan3A_5 = arith.addi %scan3A_3, %scan3A_4 : i32
    %scan3A_6 = arith.constant 1 : i32
    %scan3A_7 = scf.for %scan3A_25 = %scan3A_3 to %scan3A_5 step %scan3A_6 iter_args(%scan3A_26 = %scan3A) -> (i32)  : i32 {
      %mul3A_27 = arith.constant 16 : i32
      %mul3A_28 = arith.muli %scan3A_25, %mul3A_27 : i32
      %get3A = arith.index_cast %mul3A_28 : i32 to index
      %get3A_29 = tpu.vector_load %arg6[%get3A] {strides = array<i32>} : memref<6400xi32, #tpu.memory_space<vmem>>, vector<16xi32>,
      %iota3A = tpu.iota {dimensions = array<i32: 0>} : vector<16xi32>
      %add3A_30 = vector.broadcast %mul3A_28 : i32 to vector<16xi32>
      %add3A_31 = arith.addi %add3A_30, %iota3A : vector<16xi32>
      %rem3A = arith.constant 200 : i32
      %rem3A_32 = vector.broadcast %rem3A : i32 to vector<16xi32>
      %rem3A_33 = arith.remsi %add3A_31, %rem3A_32 : vector<16xi32>
      %mul3A_34 = arith.constant 22 : i32
      %mul3A_35 = vector.broadcast %mul3A_34 : i32 to vector<16xi32>
      %mul3A_36 = arith.muli %rem3A_33, %mul3A_35 : vector<16xi32>
      %add3A_37 = arith.addi %mul3A_36, %get3A_29 : vector<16xi32>
      %swap3A = arith.index_cast %mul3A_28 : i32 to index
      %swap3A_38 = tpu.vector_load %arg7[%swap3A] {strides = array<i32>} : memref<6400xi32, #tpu.memory_space<vmem>>, vector<16xi32>,
      tpu.vector_store %arg7[%swap3A], %add3A_37 {strides = array<i32>} : memref<6400xi32, #tpu.memory_space<vmem>>, vector<16xi32>,
      %scan3A_39 = arith.constant 0 : i32
      scf.yield %scan3A_39 : i32
    }
    %scan3A_8 = arith.constant 400 : i32
    %dma_start3A = arith.constant 0 : i32
    %dma_start3A_9 = tpu.memref_slice %arg7[%dma_start3A] : memref<6400xi32, #tpu.memory_space<vmem>> -> memref<128xi32, #tpu.memory_space<vmem>>
    %dma_start3A_10 = arith.constant 0 : i32
    %dma_start3A_11 = arith.constant 0 : i32
    %dma_start3A_12 = tpu.memref_slice %arg2[%dma_start3A_10, %dma_start3A_11] : memref<4400x128xf32, #tpu.memory_space<hbm>> -> memref<4400x128xf32, #tpu.memory_space<hbm>>
    tpu.enqueue_indirect_dma source(%dma_start3A_12 : memref<4400x128xf32, #tpu.memory_space<hbm>>) target(%arg8 : memref<128x128xf32, #tpu.memory_space<vmem>>) offsets(%dma_start3A_9 : memref<128xi32, #tpu.memory_space<vmem>>) semaphore(%arg12 : memref<!tpu.dma_semaphore, #tpu.memory_space<semaphore_mem>>)
    %dma_start3A_13 = arith.constant 0 : i32
    %dma_start3A_14 = tpu.memref_slice %arg7[%dma_start3A_13] : memref<6400xi32, #tpu.memory_space<vmem>> -> memref<128xi32, #tpu.memory_space<vmem>>
    %dma_start3A_15 = arith.constant 0 : i32
    %dma_start3A_16 = arith.constant 0 : i32
    %dma_start3A_17 = tpu.memref_slice %arg3[%dma_start3A_15, %dma_start3A_16] : memref<4400x128xf32, #tpu.memory_space<hbm>> -> memref<4400x128xf32, #tpu.memory_space<hbm>>
    tpu.enqueue_indirect_dma source(%dma_start3A_17 : memref<4400x128xf32, #tpu.memory_space<hbm>>) target(%arg10 : memref<128x128xf32, #tpu.memory_space<vmem>>) offsets(%dma_start3A_14 : memref<128xi32, #tpu.memory_space<vmem>>) semaphore(%arg12 : memref<!tpu.dma_semaphore, #tpu.memory_space<semaphore_mem>>)
    %scan3A_18 = arith.constant 0 : i32
    %scan3A_19 = arith.constant 0 : i32
    %scan3A_20 = arith.constant 25 : i32
    %scan3A_21 = arith.addi %scan3A_19, %scan3A_20 : i32
    %scan3A_22 = arith.constant 1 : i32
    %scan3A_23 = scf.for %scan3A_25 = %scan3A_19 to %scan3A_21 step %scan3A_22 iter_args(%scan3A_26 = %scan3A_18) -> (i32)  : i32 {
      %mul3A_27 = arith.constant 2 : i32
      %mul3A_28 = arith.muli %mul3A_27, %scan3A_25 : i32
      %add3A_29 = arith.constant 1 : i32
      %add3A_30 = arith.addi %mul3A_28, %add3A_29 : i32
      %mul3A_31 = arith.constant 128 : i32
      %mul3A_32 = arith.muli %add3A_30, %mul3A_31 : i32
      %dma_start3A_33 = tpu.memref_slice %arg7[%mul3A_32] : memref<6400xi32, #tpu.memory_space<vmem>> -> memref<128xi32, #tpu.memory_space<vmem>>
      %dma_start3A_34 = arith.constant 0 : i32
      %dma_start3A_35 = arith.constant 0 : i32
      %dma_start3A_36 = tpu.memref_slice %arg2[%dma_start3A_34, %dma_start3A_35] : memref<4400x128xf32, #tpu.memory_space<hbm>> -> memref<4400x128xf32, #tpu.memory_space<hbm>>
      tpu.enqueue_indirect_dma source(%dma_start3A_36 : memref<4400x128xf32, #tpu.memory_space<hbm>>) target(%arg9 : memref<128x128xf32, #tpu.memory_space<vmem>>) offsets(%dma_start3A_33 : memref<128xi32, #tpu.memory_space<vmem>>) semaphore(%arg12 : memref<!tpu.dma_semaphore, #tpu.memory_space<semaphore_mem>>)
      %dma_start3A_37 = tpu.memref_slice %arg7[%mul3A_32] : memref<6400xi32, #tpu.memory_space<vmem>> -> memref<128xi32, #tpu.memory_space<vmem>>
      %dma_start3A_38 = arith.constant 0 : i32
      %dma_start3A_39 = arith.constant 0 : i32
      %dma_start3A_40 = tpu.memref_slice %arg3[%dma_start3A_38, %dma_start3A_39] : memref<4400x128xf32, #tpu.memory_space<hbm>> -> memref<4400x128xf32, #tpu.memory_space<hbm>>
      tpu.enqueue_indirect_dma source(%dma_start3A_40 : memref<4400x128xf32, #tpu.memory_space<hbm>>) target(%arg11 : memref<128x128xf32, #tpu.memory_space<vmem>>) offsets(%dma_start3A_37 : memref<128xi32, #tpu.memory_space<vmem>>) semaphore(%arg12 : memref<!tpu.dma_semaphore, #tpu.memory_space<semaphore_mem>>)
      %dma_wait3A = arith.constant 0 : i32
      %dma_wait3A_41 = tpu.memref_slice %arg7[%dma_wait3A] : memref<6400xi32, #tpu.memory_space<vmem>> -> memref<128xi32, #tpu.memory_space<vmem>>
      %dma_wait3A_42 = arith.constant 0 : i32
      %dma_wait3A_43 = arith.constant 0 : i32
      %dma_wait3A_44 = tpu.memref_slice %arg2[%dma_wait3A_42, %dma_wait3A_43] : memref<4400x128xf32, #tpu.memory_space<hbm>> -> memref<4400x128xf32, #tpu.memory_space<hbm>>
      tpu.wait_indirect_dma semaphore(%arg12 : memref<!tpu.dma_semaphore, #tpu.memory_space<semaphore_mem>>) src(%dma_wait3A_44 : memref<4400x128xf32, #tpu.memory_space<hbm>>) dst(%arg8 : memref<128x128xf32, #tpu.memory_space<vmem>>)
      %dma_wait3A_45 = arith.constant 0 : i32
      %dma_wait3A_46 = tpu.memref_slice %arg7[%dma_wait3A_45] : memref<6400xi32, #tpu.memory_space<vmem>> -> memref<128xi32, #tpu.memory_space<vmem>>
      %dma_wait3A_47 = arith.constant 0 : i32
      %dma_wait3A_48 = arith.constant 0 : i32
      %dma_wait3A_49 = tpu.memref_slice %arg3[%dma_wait3A_47, %dma_wait3A_48] : memref<4400x128xf32, #tpu.memory_space<hbm>> -> memref<4400x128xf32, #tpu.memory_space<hbm>>
      tpu.wait_indirect_dma semaphore(%arg12 : memref<!tpu.dma_semaphore, #tpu.memory_space<semaphore_mem>>) src(%dma_wait3A_49 : memref<4400x128xf32, #tpu.memory_space<hbm>>) dst(%arg10 : memref<128x128xf32, #tpu.memory_space<vmem>>)
      %mul3A_50 = arith.constant 128 : i32
      %mul3A_51 = arith.muli %mul3A_28, %mul3A_50 : i32
      %add3A_52 = arith.addi %mul3A_2, %mul3A_51 : i32
      "tpu.region"() ({
        %run_scoped3A = tpu.sem_alloc : memref<!tpu.dma_semaphore, #tpu.memory_space<semaphore_mem>>
        %dma_start3A_73 = arith.constant 0 : i32
        %dma_start3A_74 = tpu.memref_slice %arg5[%add3A_52, %dma_start3A_73] : memref<204800x256xf32, #tpu.memory_space<hbm>> -> memref<128x128xf32, #tpu.memory_space<hbm>>
        %dma_start3A_75 = arith.constant 0 : i32
        %dma_start3A_76 = tpu.memref_slice %arg5[%add3A_52, %dma_start3A_75] : memref<204800x256xf32, #tpu.memory_space<hbm>> -> memref<128x128xf32, #tpu.memory_space<hbm>>
        tpu.enqueue_dma source(%arg8 : memref<128x128xf32, #tpu.memory_space<vmem>>) target(%dma_start3A_76 : memref<128x128xf32, #tpu.memory_space<hbm>>) target_semaphore(%run_scoped3A : memref<!tpu.dma_semaphore, #tpu.memory_space<semaphore_mem>>)
        %dma_wait3A_77 = arith.constant 0 : i32
        %dma_wait3A_78 = tpu.memref_slice %arg5[%add3A_52, %dma_wait3A_77] : memref<204800x256xf32, #tpu.memory_space<hbm>> -> memref<128x128xf32, #tpu.memory_space<hbm>>
        %dma_wait3A_79 = arith.constant 0 : i32
        %dma_wait3A_80 = tpu.memref_slice %arg5[%add3A_52, %dma_wait3A_79] : memref<204800x256xf32, #tpu.memory_space<hbm>> -> memref<128x128xf32, #tpu.memory_space<hbm>>
        tpu.wait_dma2 semaphore(%run_scoped3A : memref<!tpu.dma_semaphore, #tpu.memory_space<semaphore_mem>>) src(%arg8 : memref<128x128xf32, #tpu.memory_space<vmem>>) dst(%dma_wait3A_80 : memref<128x128xf32, #tpu.memory_space<hbm>>)
        tpu.yield
      }) : () -> ()
      "tpu.region"() ({
        %run_scoped3A = tpu.sem_alloc : memref<!tpu.dma_semaphore, #tpu.memory_space<semaphore_mem>>
        %dma_start3A_73 = arith.constant 128 : i32
        %dma_start3A_74 = tpu.memref_slice %arg5[%add3A_52, %dma_start3A_73] : memref<204800x256xf32, #tpu.memory_space<hbm>> -> memref<128x128xf32, #tpu.memory_space<hbm>>
        %dma_start3A_75 = arith.constant 128 : i32
        %dma_start3A_76 = tpu.memref_slice %arg5[%add3A_52, %dma_start3A_75] : memref<204800x256xf32, #tpu.memory_space<hbm>> -> memref<128x128xf32, #tpu.memory_space<hbm>>
        tpu.enqueue_dma source(%arg10 : memref<128x128xf32, #tpu.memory_space<vmem>>) target(%dma_start3A_76 : memref<128x128xf32, #tpu.memory_space<hbm>>) target_semaphore(%run_scoped3A : memref<!tpu.dma_semaphore, #tpu.memory_space<semaphore_mem>>)
        %dma_wait3A_77 = arith.constant 128 : i32
        %dma_wait3A_78 = tpu.memref_slice %arg5[%add3A_52, %dma_wait3A_77] : memref<204800x256xf32, #tpu.memory_space<hbm>> -> memref<128x128xf32, #tpu.memory_space<hbm>>
        %dma_wait3A_79 = arith.constant 128 : i32
        %dma_wait3A_80 = tpu.memref_slice %arg5[%add3A_52, %dma_wait3A_79] : memref<204800x256xf32, #tpu.memory_space<hbm>> -> memref<128x128xf32, #tpu.memory_space<hbm>>
        tpu.wait_dma2 semaphore(%run_scoped3A : memref<!tpu.dma_semaphore, #tpu.memory_space<semaphore_mem>>) src(%arg10 : memref<128x128xf32, #tpu.memory_space<vmem>>) dst(%dma_wait3A_80 : memref<128x128xf32, #tpu.memory_space<hbm>>)
        tpu.yield
      }) : () -> ()
      %add3A_53 = arith.constant 2 : i32
      %add3A_54 = arith.addi %mul3A_28, %add3A_53 : i32
      %lt3A = arith.constant 50 : i32
      %lt3A_55 = arith.cmpi slt, %add3A_54, %lt3A : i32
      %convert_element_type3A = arith.extui %lt3A_55 : i1 to i32
      %cond3A = arith.constant 0 : i32
      %cond3A_56 = arith.cmpi ne, %convert_element_type3A, %cond3A : i32
      scf.if %cond3A_56 {
        %add3A_73 = arith.constant 2 : i32
        %add3A_74 = arith.addi %mul3A_28, %add3A_73 : i32
        %mul3A_75 = arith.constant 128 : i32
        %mul3A_76 = arith.muli %add3A_74, %mul3A_75 : i32
        %dma_start3A_77 = tpu.memref_slice %arg7[%mul3A_76] : memref<6400xi32, #tpu.memory_space<vmem>> -> memref<128xi32, #tpu.memory_space<vmem>>
        %dma_start3A_78 = arith.constant 0 : i32
        %dma_start3A_79 = arith.constant 0 : i32
        %dma_start3A_80 = tpu.memref_slice %arg2[%dma_start3A_78, %dma_start3A_79] : memref<4400x128xf32, #tpu.memory_space<hbm>> -> memref<4400x128xf32, #tpu.memory_space<hbm>>
        tpu.enqueue_indirect_dma source(%dma_start3A_80 : memref<4400x128xf32, #tpu.memory_space<hbm>>) target(%arg8 : memref<128x128xf32, #tpu.memory_space<vmem>>) offsets(%dma_start3A_77 : memref<128xi32, #tpu.memory_space<vmem>>) semaphore(%arg12 : memref<!tpu.dma_semaphore, #tpu.memory_space<semaphore_mem>>)
        %dma_start3A_81 = tpu.memref_slice %arg7[%mul3A_76] : memref<6400xi32, #tpu.memory_space<vmem>> -> memref<128xi32, #tpu.memory_space<vmem>>
        %dma_start3A_82 = arith.constant 0 : i32
        %dma_start3A_83 = arith.constant 0 : i32
        %dma_start3A_84 = tpu.memref_slice %arg3[%dma_start3A_82, %dma_start3A_83] : memref<4400x128xf32, #tpu.memory_space<hbm>> -> memref<4400x128xf32, #tpu.memory_space<hbm>>
        tpu.enqueue_indirect_dma source(%dma_start3A_84 : memref<4400x128xf32, #tpu.memory_space<hbm>>) target(%arg10 : memref<128x128xf32, #tpu.memory_space<vmem>>) offsets(%dma_start3A_81 : memref<128xi32, #tpu.memory_space<vmem>>) semaphore(%arg12 : memref<!tpu.dma_semaphore, #tpu.memory_space<semaphore_mem>>)
      } else {
      }
      %dma_wait3A_57 = arith.constant 0 : i32
      %dma_wait3A_58 = tpu.memref_slice %arg7[%dma_wait3A_57] : memref<6400xi32, #tpu.memory_space<vmem>> -> memref<128xi32, #tpu.memory_space<vmem>>
      %dma_wait3A_59 = arith.constant 0 : i32
      %dma_wait3A_60 = arith.constant 0 : i32
      %dma_wait3A_61 = tpu.memref_slice %arg2[%dma_wait3A_59, %dma_wait3A_60] : memref<4400x128xf32, #tpu.memory_space<hbm>> -> memref<4400x128xf32, #tpu.memory_space<hbm>>
      tpu.wait_indirect_dma semaphore(%arg12 : memref<!tpu.dma_semaphore, #tpu.memory_space<semaphore_mem>>) src(%dma_wait3A_61 : memref<4400x128xf32, #tpu.memory_space<hbm>>) dst(%arg9 : memref<128x128xf32, #tpu.memory_space<vmem>>)
      %dma_wait3A_62 = arith.constant 0 : i32
      %dma_wait3A_63 = tpu.memref_slice %arg7[%dma_wait3A_62] : memref<6400xi32, #tpu.memory_space<vmem>> -> memref<128xi32, #tpu.memory_space<vmem>>
      %dma_wait3A_64 = arith.constant 0 : i32
      %dma_wait3A_65 = arith.constant 0 : i32
      %dma_wait3A_66 = tpu.memref_slice %arg3[%dma_wait3A_64, %dma_wait3A_65] : memref<4400x128xf32, #tpu.memory_space<hbm>> -> memref<4400x128xf32, #tpu.memory_space<hbm>>
      tpu.wait_indirect_dma semaphore(%arg12 : memref<!tpu.dma_semaphore, #tpu.memory_space<semaphore_mem>>) src(%dma_wait3A_66 : memref<4400x128xf32, #tpu.memory_space<hbm>>) dst(%arg11 : memref<128x128xf32, #tpu.memory_space<vmem>>)
      %add3A_67 = arith.constant 1 : i32
      %add3A_68 = arith.addi %mul3A_28, %add3A_67 : i32
      %mul3A_69 = arith.constant 128 : i32
      %mul3A_70 = arith.muli %add3A_68, %mul3A_69 : i32
      %add3A_71 = arith.addi %mul3A_2, %mul3A_70 : i32
      "tpu.region"() ({
        %run_scoped3A = tpu.sem_alloc : memref<!tpu.dma_semaphore, #tpu.memory_space<semaphore_mem>>
        %dma_start3A_73 = arith.constant 0 : i32
        %dma_start3A_74 = tpu.memref_slice %arg5[%add3A_71, %dma_start3A_73] : memref<204800x256xf32, #tpu.memory_space<hbm>> -> memref<128x128xf32, #tpu.memory_space<hbm>>
        %dma_start3A_75 = arith.constant 0 : i32
        %dma_start3A_76 = tpu.memref_slice %arg5[%add3A_71, %dma_start3A_75] : memref<204800x256xf32, #tpu.memory_space<hbm>> -> memref<128x128xf32, #tpu.memory_space<hbm>>
        tpu.enqueue_dma source(%arg9 : memref<128x128xf32, #tpu.memory_space<vmem>>) target(%dma_start3A_76 : memref<128x128xf32, #tpu.memory_space<hbm>>) target_semaphore(%run_scoped3A : memref<!tpu.dma_semaphore, #tpu.memory_space<semaphore_mem>>)
        %dma_wait3A_77 = arith.constant 0 : i32
        %dma_wait3A_78 = tpu.memref_slice %arg5[%add3A_71, %dma_wait3A_77] : memref<204800x256xf32, #tpu.memory_space<hbm>> -> memref<128x128xf32, #tpu.memory_space<hbm>>
        %dma_wait3A_79 = arith.constant 0 : i32
        %dma_wait3A_80 = tpu.memref_slice %arg5[%add3A_71, %dma_wait3A_79] : memref<204800x256xf32, #tpu.memory_space<hbm>> -> memref<128x128xf32, #tpu.memory_space<hbm>>
        tpu.wait_dma2 semaphore(%run_scoped3A : memref<!tpu.dma_semaphore, #tpu.memory_space<semaphore_mem>>) src(%arg9 : memref<128x128xf32, #tpu.memory_space<vmem>>) dst(%dma_wait3A_80 : memref<128x128xf32, #tpu.memory_space<hbm>>)
        tpu.yield
      }) : () -> ()
      "tpu.region"() ({
        %run_scoped3A = tpu.sem_alloc : memref<!tpu.dma_semaphore, #tpu.memory_space<semaphore_mem>>
        %dma_start3A_73 = arith.constant 128 : i32
        %dma_start3A_74 = tpu.memref_slice %arg5[%add3A_71, %dma_start3A_73] : memref<204800x256xf32, #tpu.memory_space<hbm>> -> memref<128x128xf32, #tpu.memory_space<hbm>>
        %dma_start3A_75 = arith.constant 128 : i32
        %dma_start3A_76 = tpu.memref_slice %arg5[%add3A_71, %dma_start3A_75] : memref<204800x256xf32, #tpu.memory_space<hbm>> -> memref<128x128xf32, #tpu.memory_space<hbm>>
        tpu.enqueue_dma source(%arg11 : memref<128x128xf32, #tpu.memory_space<vmem>>) target(%dma_start3A_76 : memref<128x128xf32, #tpu.memory_space<hbm>>) target_semaphore(%run_scoped3A : memref<!tpu.dma_semaphore, #tpu.memory_space<semaphore_mem>>)
        %dma_wait3A_77 = arith.constant 128 : i32
        %dma_wait3A_78 = tpu.memref_slice %arg5[%add3A_71, %dma_wait3A_77] : memref<204800x256xf32, #tpu.memory_space<hbm>> -> memref<128x128xf32, #tpu.memory_space<hbm>>
        %dma_wait3A_79 = arith.constant 128 : i32
        %dma_wait3A_80 = tpu.memref_slice %arg5[%add3A_71, %dma_wait3A_79] : memref<204800x256xf32, #tpu.memory_space<hbm>> -> memref<128x128xf32, #tpu.memory_space<hbm>>
        tpu.wait_dma2 semaphore(%run_scoped3A : memref<!tpu.dma_semaphore, #tpu.memory_space<semaphore_mem>>) src(%arg11 : memref<128x128xf32, #tpu.memory_space<vmem>>) dst(%dma_wait3A_80 : memref<128x128xf32, #tpu.memory_space<hbm>>)
        tpu.yield
      }) : () -> ()
      %scan3A_72 = arith.constant 0 : i32
      scf.yield %scan3A_72 : i32
    }
    %scan3A_24 = arith.constant 25 : i32
    return
  }
}

module attributes {stable_mosaic.version = 14 : i64} {
  func.func @_table_body(%arg0: memref<22x128xf32, #tpu.memory_space<vmem>>, %arg1: memref<200x64xf32, #tpu.memory_space<vmem>>, %arg2: memref<22x22xf32, #tpu.memory_space<vmem>>, %arg3: memref<22x7xf32, #tpu.memory_space<vmem>>, %arg4: memref<4400x128xf32, #tpu.memory_space<vmem>>, %arg5: memref<4400x128xf32, #tpu.memory_space<vmem>>) attributes {dimension_semantics = [], scalar_prefetch = 0 : i64, scratch_operands = 0 : i64, tpu.core_type = #tpu.core_type<tc>} {
    %get3A = arith.constant 0 : index
    %get3A_0 = arith.constant 0 : index
    %get3A_1 = vector.load %arg0[%get3A, %get3A_0] : memref<22x128xf32, #tpu.memory_space<vmem>>, vector<22x128xf32>
    %get3A_2 = arith.constant 0 : index
    %get3A_3 = arith.constant 0 : index
    %get3A_4 = vector.load %arg1[%get3A_2, %get3A_3] : memref<200x64xf32, #tpu.memory_space<vmem>>, vector<200x64xf32>
    %get3A_5 = arith.constant 0 : index
    %get3A_6 = arith.constant 0 : index
    %get3A_7 = vector.load %arg2[%get3A_5, %get3A_6] : memref<22x22xf32, #tpu.memory_space<vmem>>, vector<22x22xf32>
    %get3A_8 = arith.constant 0 : index
    %get3A_9 = arith.constant 0 : index
    %get3A_10 = vector.load %arg3[%get3A_8, %get3A_9] : memref<22x7xf32, #tpu.memory_space<vmem>>, vector<22x7xf32>
    %iota3A = tpu.iota {dimensions = array<i32: 0>} : vector<4400x200xi32>
    %jit3A = arith.constant 22 : i32
    %div3A = vector.broadcast %jit3A : i32 to vector<4400x200xi32>
    %div3A_11 = arith.divsi %iota3A, %div3A : vector<4400x200xi32>
    %sign3A = arith.constant 0 : i32
    %sign3A_12 = vector.broadcast %sign3A : i32 to vector<4400x200xi32>
    %sign3A_13 = arith.cmpi sgt, %iota3A, %sign3A_12 : vector<4400x200xi32>
    %sign3A_14 = arith.extui %sign3A_13 : vector<4400x200xi1> to vector<4400x200xi32>
    %sign3A_15 = arith.constant 0 : i32
    %sign3A_16 = vector.broadcast %sign3A_15 : i32 to vector<4400x200xi32>
    %sign3A_17 = arith.cmpi slt, %iota3A, %sign3A_16 : vector<4400x200xi32>
    %sign3A_18 = arith.extui %sign3A_17 : vector<4400x200xi1> to vector<4400x200xi32>
    %sign3A_19 = arith.subi %sign3A_14, %sign3A_18 : vector<4400x200xi32>
    %sign3A_20 = arith.constant 0 : i32
    %sign3A_21 = arith.cmpi sgt, %jit3A, %sign3A_20 : i32
    %sign3A_22 = arith.extui %sign3A_21 : i1 to i32
    %sign3A_23 = arith.constant 0 : i32
    %sign3A_24 = arith.cmpi slt, %jit3A, %sign3A_23 : i32
    %sign3A_25 = arith.extui %sign3A_24 : i1 to i32
    %sign3A_26 = arith.subi %sign3A_22, %sign3A_25 : i32
    %ne3A = vector.broadcast %sign3A_26 : i32 to vector<4400x200xi32>
    %ne3A_27 = arith.cmpi ne, %sign3A_19, %ne3A : vector<4400x200xi32>
    %rem3A = vector.broadcast %jit3A : i32 to vector<4400x200xi32>
    %rem3A_28 = arith.remsi %iota3A, %rem3A : vector<4400x200xi32>
    %ne3A_29 = arith.constant 0 : i32
    %ne3A_30 = vector.broadcast %ne3A_29 : i32 to vector<4400x200xi32>
    %ne3A_31 = arith.cmpi ne, %rem3A_28, %ne3A_30 : vector<4400x200xi32>
    %and3A = arith.andi %ne3A_27, %ne3A_31 : vector<4400x200xi1>
    %sub3A = arith.constant 1 : i32
    %sub3A_32 = vector.broadcast %sub3A : i32 to vector<4400x200xi32>
    %sub3A_33 = arith.subi %div3A_11, %sub3A_32 : vector<4400x200xi32>
    %select_n3A = arith.select %and3A, %sub3A_33, %div3A_11 : vector<4400x200xi1>, vector<4400x200xi32>
    %iota3A_34 = tpu.iota {dimensions = array<i32: 1>} : vector<4400x200xi32>
    %eq3A = arith.cmpi eq, %select_n3A, %iota3A_34 : vector<4400x200xi32>
    %convert_element_type3A = arith.extui %eq3A : vector<4400x200xi1> to vector<4400x200xi32>
    %convert_element_type3A_35 = arith.sitofp %convert_element_type3A : vector<4400x200xi32> to vector<4400x200xf32>
    %iota3A_36 = tpu.iota {dimensions = array<i32: 0>} : vector<4400x22xi32>
    %jit3A_37 = arith.constant 22 : i32
    %eq3A_38 = arith.constant 0 : i32
    %eq3A_39 = arith.cmpi eq, %jit3A_37, %eq3A_38 : i32
    %jit3A_40 = arith.constant 1 : i32
    %select_n3A_41 = arith.select %eq3A_39, %jit3A_40, %jit3A_37 : i32
    %rem3A_42 = vector.broadcast %select_n3A_41 : i32 to vector<4400x22xi32>
    %rem3A_43 = arith.remsi %iota3A_36, %rem3A_42 : vector<4400x22xi32>
    %ne3A_44 = arith.constant 0 : i32
    %ne3A_45 = vector.broadcast %ne3A_44 : i32 to vector<4400x22xi32>
    %ne3A_46 = arith.cmpi ne, %rem3A_43, %ne3A_45 : vector<4400x22xi32>
    %lt3A = arith.constant 0 : i32
    %lt3A_47 = vector.broadcast %lt3A : i32 to vector<4400x22xi32>
    %lt3A_48 = arith.cmpi slt, %rem3A_43, %lt3A_47 : vector<4400x22xi32>
    %lt3A_49 = arith.constant 0 : i32
    %lt3A_50 = arith.cmpi slt, %select_n3A_41, %lt3A_49 : i32
    %ne3A_51 = vector.broadcast %lt3A_50 : i1 to vector<4400x22xi1>
    %ne3A_52 = vector.broadcast %ne3A_51 : vector<4400x22xi1> to vector<4400x22xi1>
    %ne3A_53 = arith.xori %lt3A_48, %ne3A_52 : vector<4400x22xi1>
    %and3A_54 = arith.andi %ne3A_53, %ne3A_46 : vector<4400x22xi1>
    %add3A = vector.broadcast %select_n3A_41 : i32 to vector<4400x22xi32>
    %add3A_55 = arith.addi %rem3A_43, %add3A : vector<4400x22xi32>
    %select_n3A_56 = arith.select %and3A_54, %add3A_55, %rem3A_43 : vector<4400x22xi1>, vector<4400x22xi32>
    %iota3A_57 = tpu.iota {dimensions = array<i32: 1>} : vector<4400x22xi32>
    %eq3A_58 = arith.cmpi eq, %select_n3A_56, %iota3A_57 : vector<4400x22xi32>
    %convert_element_type3A_59 = arith.extui %eq3A_58 : vector<4400x22xi1> to vector<4400x22xi32>
    %convert_element_type3A_60 = arith.sitofp %convert_element_type3A_59 : vector<4400x22xi32> to vector<4400x22xf32>
    %dot_general3A = arith.constant dense<0.000000e+00> : vector<4400x128xf32>
    %dot_general3A_61 = tpu.matmul %convert_element_type3A_60, %get3A_1, %dot_general3A {dimension_numbers = #tpu.dot_dimension_numbers<[1], [0], [0], [1], [0, 0, 1, 1], [], []>, precision = #tpu.contract_precision<fp32>, transpose_lhs_hint = false} : vector<4400x22xf32>, vector<22x128xf32>, vector<4400x128xf32> -> vector<4400x128xf32>
    %swap3A = arith.constant 0 : index
    %swap3A_62 = arith.constant 0 : index
    %swap3A_63 = vector.load %arg4[%swap3A, %swap3A_62] : memref<4400x128xf32, #tpu.memory_space<vmem>>, vector<4400x128xf32>
    tpu.vector_store %arg4[%swap3A, %swap3A_62], %dot_general3A_61 {strides = array<i32>} : memref<4400x128xf32, #tpu.memory_space<vmem>>, vector<4400x128xf32>,
    %broadcast_in_dim3A = arith.constant 0.000000e+00 : f32
    %broadcast_in_dim3A_64 = vector.broadcast %broadcast_in_dim3A : f32 to vector<200x64xf32>
    %concatenate3A = tpu.concatenate %get3A_4, %broadcast_in_dim3A_64 in 1 : vector<200x64xf32>, vector<200x64xf32> -> vector<200x128xf32>
    %broadcast_in_dim3A_65 = arith.constant 0.000000e+00 : f32
    %broadcast_in_dim3A_66 = vector.broadcast %broadcast_in_dim3A_65 : f32 to vector<22x64xf32>
    %broadcast_in_dim3A_67 = arith.constant 0.000000e+00 : f32
    %broadcast_in_dim3A_68 = vector.broadcast %broadcast_in_dim3A_67 : f32 to vector<22x35xf32>
    %concatenate3A_69 = tpu.concatenate %broadcast_in_dim3A_66, %get3A_7, %get3A_10, %broadcast_in_dim3A_68 in 1 : vector<22x64xf32>, vector<22x22xf32>, vector<22x7xf32>, vector<22x35xf32> -> vector<22x128xf32>
    %dot_general3A_70 = arith.constant dense<0.000000e+00> : vector<4400x128xf32>
    %dot_general3A_71 = tpu.matmul %convert_element_type3A_35, %concatenate3A, %dot_general3A_70 {dimension_numbers = #tpu.dot_dimension_numbers<[1], [0], [0], [1], [0, 0, 1, 1], [], []>, precision = #tpu.contract_precision<fp32>, transpose_lhs_hint = false} : vector<4400x200xf32>, vector<200x128xf32>, vector<4400x128xf32> -> vector<4400x128xf32>
    %dot_general3A_72 = arith.constant dense<0.000000e+00> : vector<4400x128xf32>
    %dot_general3A_73 = tpu.matmul %convert_element_type3A_60, %concatenate3A_69, %dot_general3A_72 {dimension_numbers = #tpu.dot_dimension_numbers<[1], [0], [0], [1], [0, 0, 1, 1], [], []>, precision = #tpu.contract_precision<fp32>, transpose_lhs_hint = false} : vector<4400x22xf32>, vector<22x128xf32>, vector<4400x128xf32> -> vector<4400x128xf32>
    %add3A_74 = arith.addf %dot_general3A_71, %dot_general3A_73 : vector<4400x128xf32>
    %swap3A_75 = arith.constant 0 : index
    %swap3A_76 = arith.constant 0 : index
    %swap3A_77 = vector.load %arg5[%swap3A_75, %swap3A_76] : memref<4400x128xf32, #tpu.memory_space<vmem>>, vector<4400x128xf32>
    tpu.vector_store %arg5[%swap3A_75, %swap3A_76], %add3A_74 {strides = array<i32>} : memref<4400x128xf32, #tpu.memory_space<vmem>>, vector<4400x128xf32>,
    return
  }
}

</mosaic_0001>

<sc_bundles>
// kernel: kernel.4.cloned.1.call-start
scs
__scs_entry_jumppad:
0x0: {  	(pc) =	sbr.rel $0x88, $3  }
0x1: {  	(tag) =	ssettag $0x0;
	lr =	simm.s32 $0x1  }
0x2: {  	[smem:$0x3F9C] =	sst lr;
	_ =	strace $0xD0000000  }
0x3: {  	_ = 	snop  }
0x4: {  	_ = 	snop  }
0x5: {  	_ = 	snop  }
0x6: {  	_ = 	snop  }
0x7: {  	_ = 	snop  }
__scs_overlays_trampoline_lowered:
0x8: {  	[smem:$0x3FAB] =	sst s0  }
0x9: {  	[smem:$0x3FAC] =	sst s1  }
0xa: {  	[smem:$0x3FAD] =	sst s2  }
0xb: {  	[smem:$0x3FAE] =	sst s3  }
0xc: {  	[smem:$0x3FAF] =	sst s4  }
0xd: {  	[smem:$0x3FB0] =	sst s5  }
0xe: {  	[smem:$0x3FB1] =	sst s6  }
0xf: {  	[smem:$0x3FB2] =	sst s7  }
0x10: {  	[smem:$0x3FB3] =	sst s8  }
0x11: {  	[smem:$0x3FB4] =	sst s9;
	s0 =	simm.s32 @!p0 $0x0  }
0x12: {  	s1 =	sld [smem:$0x3F9A];
	s0 =	simm.s32 @p0 $0x1  }
0x13: {  	[smem:$0x3FB5] =	sst s0;
	s0 =	simm.s32 @!p1 $0x0  }
0x14: {  	s2 =	sld [smem:$0x3F99];
	s0 =	simm.s32 @p1 $0x1  }
0x15: {  	[smem:$0x3FB6] =	sst s0;
	s0 =	simm.s32 @!p2 $0x0  }
0x16: {  	s3 =	sld [smem:$0x3FDB];
	s0 =	simm.s32 @p2 $0x1  }
0x17: {  	s4 =	simm.s32 $0x1BF5;
	[smem:$0x3FB8] =	sst s0  }
0x18: {  	s0 =	sld [smem:$0x3F9B];
	_ =	swait.ge [sflag:s4], $0x0  }
0x19: {  	s7 =	sld [smem:$0x3F9C]  }
0x1a: {  	s8 =	sadd.s32 $0xFFFFE003, lr  }
0x1b: {  	s9 =	sadd.s32 $0xFFFFFEF7, lr;
	s5 =	simm.s32 $0xFFFFFFFF;
	p2 =	slt.u32 s8, $0xFFFFF086  }
0x1c: {  	p1 =	slt.u32 s9, $0xF7A;
	s5 =	simm.s32 @!p2 $0x0  }
0x1d: {  	s5 =	simm.s32 @p1 $0x1;
	p0 =	seq.s32 s7, s2  }
0x1e: {  	s7 =	smul.u32 @!p0 $0xF7A, s2;
	p2 =	seq.s32 @!p0 s5, $0x0  }
0x1f: {  	s9 =	smul.u32 $0xF7A, s1;
	s8 =	simm.s32 @!p0 $0x1BF5;
	p2 =	por !p2, p0  }
0x20: {  	[sflag:s8] =	ssyncset.s32 @!p0 $0xFFFFF086;
	s6 =	sadd.s32 @!p0 s3, s7;
	s7 =	simm.s32 @!p0 $0x108  }
0x21: {  	s3 =	sadd.s32 s3, s9;
	s6 =	sadd.s32 @!p0 $0x88, s6;
	s7 =	simm.s32 @p2 $0x1082  }
0x22: {  	[simem:s7], [sflag:s8] =	dma.local @!p0 [hbm:s6], $0xF7A  }
0x23: {  	s9 =	sor.u32 $0xD0000000, s2;
	s6 =	simm.s32 $0x108;
	_ =	swait.ge @!p0 [sflag:s8], $0x0  }
0x24: {  	s3 =	sadd.s32 $0x88, s3;
	s6 =	simm.s32 @!p1 $0x1082;
	[sflag:s4] =	ssyncset.s32 $0xFFFFF086  }
0x25: {  	[simem:s6], [sflag:s4] =	dma.local [hbm:s3], $0xF7A  }
0x26: {  	[smem:$0x3F9C] =	sst s1;
	(tag) =	ssettag s2;
	_ =	strace s9  }
0x27: {  	s1 =	sld [smem:$0x3FAC]  }
0x28: {  	s2 =	sld [smem:$0x3FAD]  }
0x29: {  	s4 =	sld [smem:$0x3FAF]  }
0x2a: {  	p0 =	seq.s32 s5, $0x0;
	s5 =	sld [smem:$0x3FB0]  }
0x2b: {  	s6 =	sld [smem:$0x3FB1]  }
0x2c: {  	s7 =	sld [smem:$0x3FB2]  }
0x2d: {  	s3 =	simm.s32 $0x108;
	s8 =	sld [smem:$0x3FB3]  }
0x2e: {  	s3 =	simm.s32 @!p0 $0x1082;
	s9 =	sld [smem:$0x3FB4]  }
0x2f: {  	lr =	sadd.s32 s0, s3;
	s0 =	sld [smem:$0x3FAB]  }
0x30: {  	s3 =	sld [smem:$0x3FAE]  }
0x31: {  	[smem:$0x3FB7] =	sst s10  }
0x32: {  	s10 =	sld [smem:$0x3FB5];
	_ =	sdelay $0x3  }
0x33: {  	p0 =	seq.s32 s10, $0x1;
	s10 =	sld [smem:$0x3FB7];
	_ =	sdelay $0x3  }
0x34: {  	[smem:$0x3FB7] =	sst s10  }
0x35: {  	s10 =	sld [smem:$0x3FB6];
	_ =	sdelay $0x3  }
0x36: {  	p1 =	seq.s32 s10, $0x1;
	s10 =	sld [smem:$0x3FB7];
	_ =	sdelay $0x3  }
0x37: {  	[smem:$0x3FB7] =	sst s10  }
0x38: {  	s10 =	sld [smem:$0x3FB8]  }
0x39: {  	_ = 	snop;
	(pc) =	sbr.ind lr, $3  }
0x3a: {  	_ = 	snop  }
0x3b: {  	_ = 	snop  }
0x3c: {  	p2 =	seq.s32 s10, $0x1;
	s10 =	sld [smem:$0x3FB7]  }
0x3d: {  	_ =	shalt  }
0x3e: {  	_ =	shalt  }
0x3f: {  	_ =	shalt  }
0x40: {  	_ =	shalt  }
0x41: {  	_ =	shalt  }
0x42: {  	_ =	shalt  }
0x43: {  	_ =	shalt  }
0x44: {  	_ =	shalt  }
0x45: {  	_ =	shalt  }
0x46: {  	_ =	shalt  }
0x47: {  	_ =	shalt  }
0x48: {  	_ =	shalt  }
0x49: {  	_ =	shalt  }
0x4a: {  	_ =	shalt  }
0x4b: {  	_ =	shalt  }
0x4c: {  	_ =	shalt  }
0x4d: {  	_ =	shalt  }
0x4e: {  	_ =	shalt  }
0x4f: {  	_ =	shalt  }
0x50: {  	_ =	shalt  }
0x51: {  	_ =	shalt  }
0x52: {  	_ =	shalt  }
0x53: {  	_ =	shalt  }
0x54: {  	_ =	shalt  }
0x55: {  	_ =	shalt  }
0x56: {  	_ =	shalt  }
0x57: {  	_ =	shalt  }
0x58: {  	_ =	shalt  }
0x59: {  	_ =	shalt  }
0x5a: {  	_ =	shalt  }
0x5b: {  	_ =	shalt  }
0x5c: {  	_ =	shalt  }
0x5d: {  	_ =	shalt  }
0x5e: {  	_ =	shalt  }
0x5f: {  	_ =	shalt  }
0x60: {  	_ =	shalt  }
0x61: {  	_ =	shalt  }
0x62: {  	_ =	shalt  }
0x63: {  	_ =	shalt  }
0x64: {  	_ =	shalt  }
0x65: {  	_ =	shalt  }
0x66: {  	_ =	shalt  }
0x67: {  	_ =	shalt  }
0x68: {  	_ =	shalt  }
0x69: {  	_ =	shalt  }
0x6a: {  	_ =	shalt  }
0x6b: {  	_ =	shalt  }
0x6c: {  	_ =	shalt  }
0x6d: {  	_ =	shalt  }
0x6e: {  	_ =	shalt  }
0x6f: {  	_ =	shalt  }
0x70: {  	_ =	shalt  }
0x71: {  	_ =	shalt  }
0x72: {  	_ =	shalt  }
0x73: {  	_ =	shalt  }
0x74: {  	_ =	shalt  }
0x75: {  	_ =	shalt  }
0x76: {  	_ =	shalt  }
0x77: {  	_ =	shalt  }
0x78: {  	_ =	shalt  }
0x79: {  	_ =	shalt  }
0x7a: {  	_ =	shalt  }
0x7b: {  	_ =	shalt  }
0x7c: {  	_ =	shalt  }
0x7d: {  	_ =	shalt  }
0x7e: {  	_ =	shalt  }
0x7f: {  	_ =	shalt  }
0x80: {  	_ =	shalt  }
0x81: {  	_ =	shalt  }
0x82: {  	_ =	shalt  }
0x83: {  	_ =	shalt  }
0x84: {  	_ =	shalt  }
0x85: {  	_ =	shalt  }
0x86: {  	_ =	shalt  }
0x87: {  	_ =	shalt  }
.Lfunc_end0:
.L_simem_size_0:
called_computation.1_lowered:
.L_overlay_start_0:
0x88: {  	s2 =	sld [smem:$0x3FD9]  }
0x89: {  	s3 =	sld [smem:$0x3FFE];
	_ =	sdelay $0x1  }
0x8a: {  	s1 =	srdreg.scid  }
0x8b: {  	s0 =	sand.u32 $0x1, s1  }
0x8c: {  	s17 =	sshll.u32 s0, $0xA;
	s2 =	sadd.s32 s3, s2  }
0x8d: {  	s2 =	sadd.s32 s2, s17  }
0x8e: {  	[smem:$0x3FC3] =	sst s2  }
0x8f: {  	_ = 	snop  }
0x90: {  	s2 =	sld [smem:$0x3FD0];
	(tm) =	ssettm $0x1  }
0x91: {  	s18 =	sld [smem:$0x3FFB];
	_ =	sdelay $0x3  }
0x92: {  	_ =	strace s18  }
0x93: {  	s3 =	sld [smem:$0x3FFC];
	_ =	sdelay $0x3  }
0x94: {  	_ =	strace s3  }
0x95: {  	s3 =	sld [smem:$0x3FFD];
	_ =	sdelay $0x3  }
0x96: {  	_ =	strace s3  }
0x97: {  	_ =	strace $0x8FFFFFFF  }
0x98: {  	s19 =	sld [smem:$0x3FDB];
	_ =	sdelay $0x1  }
0x99: {  	s4 =	simm.s32 $_scs_section_size  }
0x9a: {  	s5 =	simm.s32 $_size__tile_overlayer_lowered;
	s6 =	simm.s32 $_tile_overlayer_lowered  }
0x9b: {  	s22 =	simm.s32 $0x1BFF;
	s21 =	sshll.u32 s6, $0x1;
	s3 =	sadd.s32 s4, s19  }
0x9c: {  	s7 =	simm.s32 $0x0;
	s20 =	sshll.u32 s5, $0x1;
	s5 =	sadd.s32 s21, s3  }
0x9d: {  	[timem:s7], [sflag:s22] =	dma.local [hbm:s5], s20  }
0x9e: {  	_ =	swait.ge [sflag:s22], s20  }
0x9f: {  	s4 =	ssub.s32 $0x0, s20;
	[sflag:s22] =	ssyncset.done $0x0  }
0xa0: {  	[sflag:s22] =	ssyncadd.s32 s4;
	_ =	sdelay $0x1  }
0xa1: {  	s23 =	simm.s32 $0x1B8B  }
0xa2: {  	_ =	swait.ge [sflag:s23], $0x1  }
0xa3: {  	[sflag:s23] =	ssyncset.done $0x0  }
0xa4: {  	s25 =	simm.s32 $0x1B8E;
	s24 =	sld [smem:$0x3FFE];
	[sflag:s23] =	ssyncadd.s32 $0xFFFFFFFF  }
0xa5: {  	s26 =	simm.s32 $execute0_lowered;
	[smem:$0x3FD2] =	sst s25  }
0xa6: {  	s5 =	sshll.u32 s26, $0x1;
	_ =	strace $0x80000046;
	[dreg:$0x1] =	wrdreg $0xFFFFFFFF  }
0xa7: {  	s28 =	simm.s32 $_size_execute0_lowered;
	s3 =	sadd.s32 s3, s5;
	[dreg:$0x0] =	wrdreg $0x0  }
0xa8: {  	s5 =	sshll.u32 s28, $0x1;
	[dreg:$0x2] =	wrdreg s3  }
0xa9: {  	[dreg:$0x3] =	wrdreg s5  }
0xaa: {  	[dreg:$0x4] =	wrdreg $0xC0  }
0xab: {  	_ =	task [dreg:s7], $0x5FFFF  }
0xac: {  	[dreg:$0x1] =	wrdreg $0xFFFFFFFF  }
0xad: {  	[dreg:$0x0] =	wrdreg $0x60  }
0xae: {  	[dreg:$0x2] =	wrdreg s2  }
0xaf: {  	[dreg:$0x3] =	wrdreg s24  }
0xb0: {  	[dreg:$0x4] =	wrdreg $0x9  }
0xb1: {  	_ =	task.clear_ibuf [dreg:s7], $0x5FFFF;
	_ =	strace $0x90000046  }
0xb2: {  	s29 =	simm.s32 $0x9;
	_ =	strace $0x80000048  }
0xb3: {  	_ =	swait.ge [sflag:s29], $0x1  }
0xb4: {  	[sflag:s29] =	ssyncadd.s32 $0xFFFFFFFF  }
0xb5: {  	_ =	strace $0x90000048  }
0xb6: {  	_ =	sfence  }
0xb7: {  	s30 =	sld [smem:$0x0];
	_ =	sdelay $0x2  }
0xb8: {  	s31 =	sshll.u32 s1, $0xD;
	s1 =	sshrl.u32 s1, $0x2  }
0xb9: {  	s3 =	sand.u32 $0x4000, s31;
	s1 =	sadd.s32 s1, s30  }
0xba: {  	s0 =	sor.u32 s3, s0;
	s1 =	sshll.u32 s1, $0x11  }
0xbb: {  	s0 =	sor.u32 s1, s0  }
0xbc: {  	s0 =	sadd.s32 $0x8F2B, s0  }
0xbd: {  	[sflag:s0] =	ssyncadd.remote.s32 $0x1  }
0xbe: {  	_ =	sfence.sel $0xFFFF  }
0xbf: {  	[dreg:$0x0] =	wrdreg $0xFFFFFFFF;
	(pc) =	sbr.abs _section_cstart, $3  }
0xc0: {  	[dreg:$0x1] =	wrdreg $0xFFFFFFFF  }
0xc1: {  	_ =	task.clear_ibuf [dreg:s7], $0x2FFFF;
	_ =	strace $0x9FFFFFFF  }
0xc2: {  	(tm) =	ssettm $0x7FFFFFFF  }
0xc3: {  	_ =	shalt  }
tec
execute0_lowered:
.L_overlay_start_1:
0x0: {  	(tag) =	ssettag $0x1  }
0x1: {  	s1 =	srdreg.scid;
	s2 =	rddreg [dreg:$0x0]  }
0x2: {  	s0 =	stileid.u32;
	s6 =	rddreg [dreg:$0x1]  }
0x3: {  	s3 =	simm.s32 $0x0;
	s16 =	simm.s32 $0x3200;
	s17 =	simm.s32 $0xB200  }
0x4: {  	s18 =	simm.s32 $0x7200;
	s19 =	simm.s32 $0xF200;
	s20 =	simm.s32 $0x1  }
0x5: {  	s21 =	simm.s32 $0x400;
	s22 =	simm.s32 $0x800;
	s29 =	smul.u32 $0x320000, s0  }
0x6: {  	s23 =	simm.s32 $0x3180;
	s9 =	sand.u32 $0x1, s1;
	s15 =	smul.u32 $0x64000, s0  }
0x7: {  	s24 =	simm.s32 $0x0;
	s25 =	sshll.u32 s0, $0x1;
	s14 =	smul.u32 $0x190000, s9  }
0x8: {  	s1 =	rddreg [dreg:$0x2];
	s7 =	sor.u32 s9, s25;
	s31 =	smul.u32 $0x32000, s9  }
0x9: {  	[smem:$0x7FF] =	sst s3;
	s11 =	sadd.s32 $0x18A00, s6;
	s4 =	smul.u32 $0x1900, s7  }
0xa: {  	s13 =	sadd.s32 $0x18A80, s6;
	s8 =	ssub.s32 $0x2, s9;
	s12 =	smul.u32 $0x190000, s7  }
0xb: {  	_ =	strace $0x80000047;
	s10 =	sshrl.u32 s8, $0x1;
	s26 =	smul.u32 $0x32000, s7  }
0xc: {  	s15 =	sadd.s32 s15, s11;
	s8 =	ssub.s32 s8, s10;
	s5 =	sshrl.u32 s4, $0x3  }
0xd: {  	s4 =	sadd.s32 $0x7600, s6;
	s28 =	sshrl.u32 s12, $0x3;
	s10 =	sadd.s32 $0x31000, s26  }
0xe: {  	s12 =	sadd.s32 s14, s29;
	s14 =	simm.s32 $0x80;
	s5 =	sadd.s32 s5, s6  }
0xf: {  	s6 =	smax.u32 s8, $0x1;
	s30 =	sadd.s32 $0x30000, s28;
	s9 =	sadd.s32 s11, s10  }
0x10: {  	s12 =	sshrl.u32 s12, $0x3;
	s10 =	sadd.s32 s10, s13;
	s5 =	sadd.s32 $0x1200, s5  }
0x11: {  	s7 =	sadd.s32 s11, s30;
	s8 =	sadd.s32 s30, s13;
	s11 =	sadd.s32 s12, s11  }
0x12: {  	v0 =	vlaneseq.u32;
	s12 =	sadd.s32 s31, s15;
	s13 =	simm.s32 $0x2;
	s15 =	simm.s32 $0x1900  }
.LBB2_1:
0x13: {  	[tilespmem:s3], [sflag:$0x2] =	stream.linear.gather [hbm4b:s5+s3], $0x1900, $0x38;
	v1 =	vor.u32 s3, v0;
	[tilespmem:$0x13200] =	vst v63  }
0x14: {  	_ =	swait.ge [sflag:s13], $0x1900;
	v2 =	vmulhi.u32 $0x51EB851F, v1  }
0x15: {  	[sflag:s13] =	ssyncset.done $0x0  }
0x16: {  	[sflag:s13] =	ssyncadd.s32 $0xFFFFE700;
	v2 =	vshrl.u32 v2, $0x6  }
0x17: {  	s25 =	simm.s32 $0x10;
	v3 =	vld [tilespmem:s3+$0x0];
	v2 =	vmul.u32 $0xC8, v2  }
0x18: {  	v4 =	vor.u32 s25, v0  }
0x19: {  	v5 =	vmulhi.u32 $0x51EB851F, v4;
	v1 =	vsub.s32 v1, v2  }
0x1a: {  	v1 =	vmul.u32 $0x16, v1  }
0x1b: {  	v2 =	vshrl.u32 v5, $0x6  }
0x1c: {  	v2 =	vmul.u32 $0xC8, v2;
	v1 =	vadd.s32 v1, v3  }
0x1d: {  	[tilespmem:s15+$0x0] =	vst v1  }
0x1e: {  	v3 =	vsub.s32 v4, v2;
	v2 =	vld [tilespmem:s25+$0x0];
	_ =	sdelay $0x1  }
0x1f: {  	s26 =	simm.s32 $0x20  }
0x20: {  	s28 =	simm.s32 $0x30;
	v1 =	vor.u32 s26, v0;
	v3 =	vmul.u32 $0x16, v3;
	s26 =	simm.s32 $0x1900  }
.LBB2_2:
0x21: {  	p0 =	sne.s32 s28, $0x18F0;
	v4 =	vmulhi.u32 $0x51EB851F, v1  }
0x22: {  	s26 =	sadd.s32 $0x10, s26;
	v2 =	vadd.s32 v3, v2  }
.Ltmp0:
0x23: {  	s25 =	sadd.s32 $0x10, s25;
	v3 =	vshrl.u32 v4, $0x6;
	[tilespmem:s26+$0x0] =	vst v2;
	(pc) =	sbr.rel @p0 .LBB2_2-.Ltmp0, $3  }
0x24: {  	v2 =	vld [tilespmem:s25+$0x0];
	v3 =	vmul.u32 $0xC8, v3;
	_ =	sdelay $0x1  }
0x25: {  	v3 =	vsub.s32 v1, v3  }
0x26: {  	v1 =	vor.u32 s28, v0;
	s28 =	sadd.s32 $0x10, s28;
	v3 =	vmul.u32 $0x16, v3  }
0x27: {  	v4 =	vmulhi.u32 $0x51EB851F, v1  }
0x28: {  	s26 =	sadd.s32 $0x10, s26;
	v2 =	vadd.s32 v3, v2  }
0x29: {  	s25 =	sadd.s32 $0x10, s25;
	v3 =	vshrl.u32 v4, $0x6;
	[tilespmem:s26+$0x0] =	vst v2  }
0x2a: {  	v2 =	vld [tilespmem:s25+$0x0];
	v3 =	vmul.u32 $0xC8, v3;
	_ =	sdelay $0x1  }
0x2b: {  	v1 =	vsub.s32 v1, v3  }
0x2c: {  	v1 =	vmul.u32 $0x16, v1;
	_ =	sdelay $0x1  }
0x2d: {  	s28 =	sadd.s32 $0x10, s26;
	v1 =	vadd.s32 v1, v2  }
0x2e: {  	[tilespmem:s28+$0x0] =	vst v1  }
0x2f: {  	[tilespmem:s16], [sflag:$0x1] =	stream.indirect.gather [hbm4b:s2+s14], $0x80, s15, s14, $0xb8;
	[tilespmem:$0x13200] =	vst v63  }
0x30: {  	_ = 	snop  }
0x31: {  	[tilespmem:s17], [sflag:$0x1] =	stream.indirect.gather [hbm4b:s4+s14], $0x80, s15, s14, $0xb8;
	[tilespmem:$0x13200] =	vst v63  }
0x32: {  	s25 =	simm.s32 $0x1980  }
0x33: {  	[tilespmem:s18], [sflag:$0x1] =	stream.indirect.gather [hbm4b:s2+s14], $0x80, s25, s14, $0xb8;
	[tilespmem:$0x13200] =	vst v63  }
0x34: {  	_ = 	snop  }
0x35: {  	[tilespmem:s19], [sflag:$0x1] =	stream.indirect.gather [hbm4b:s4+s14], $0x80, s25, s14, $0xb8;
	[tilespmem:$0x13200] =	vst v63  }
0x36: {  	_ =	swait.ge [sflag:s20], $0x4000  }
0x37: {  	[sflag:s20] =	ssyncset.done $0x0  }
0x38: {  	[sflag:s20] =	ssyncadd.s32 $0xFFFFC000  }
0x39: {  	_ =	swait.ge [sflag:s20], $0x4000  }
0x3a: {  	[sflag:s20] =	ssyncset.done $0x0  }
0x3b: {  	s29 =	sadd.s32 $0x0, s11;
	[sflag:s20] =	ssyncadd.s32 $0xFFFFC000  }
0x3c: {  	[hbm4b:s29+s21] =	stream.strided.scatter [tilespmem:s16], [sflag:$0x2], $0x4000, s22, s21, $0x38;
	[tilespmem:$0x13200] =	vst v63  }
0x3d: {  	_ =	swait.ge [sflag:s13], $0x4000  }
0x3e: {  	[sflag:s13] =	ssyncset.done $0x0  }
0x3f: {  	s26 =	sadd.s32 $0x80, s29;
	[sflag:s13] =	ssyncadd.s32 $0xFFFFC000  }
0x40: {  	[hbm4b:s26+s21] =	stream.strided.scatter [tilespmem:s17], [sflag:$0x2], $0x4000, s22, s21, $0x38;
	[tilespmem:$0x13200] =	vst v63  }
0x41: {  	_ =	swait.ge [sflag:s13], $0x4000  }
0x42: {  	[sflag:s13] =	ssyncset.done $0x0  }
0x43: {  	s30 =	simm.s32 $0x1A00;
	[sflag:s13] =	ssyncadd.s32 $0xFFFFC000  }
0x44: {  	[tilespmem:s16], [sflag:$0x1] =	stream.indirect.gather [hbm4b:s2+s14], $0x80, s30, s14, $0xb8;
	[tilespmem:$0x13200] =	vst v63  }
0x45: {  	_ = 	snop  }
0x46: {  	[tilespmem:s17], [sflag:$0x1] =	stream.indirect.gather [hbm4b:s4+s14], $0x80, s30, s14, $0xb8;
	[tilespmem:$0x13200] =	vst v63  }
0x47: {  	_ =	swait.ge [sflag:s20], $0x4000  }
0x48: {  	[sflag:s20] =	ssyncset.done $0x0  }
0x49: {  	[sflag:s20] =	ssyncadd.s32 $0xFFFFC000  }
0x4a: {  	_ =	swait.ge [sflag:s20], $0x4000  }
0x4b: {  	s31 =	sadd.s32 $0x0, s12;
	[sflag:s20] =	ssyncset.done $0x0  }
0x4c: {  	s28 =	sadd.s32 $0x1000, s31;
	[sflag:s20] =	ssyncadd.s32 $0xFFFFC000  }
0x4d: {  	[hbm4b:s28+s21] =	stream.strided.scatter [tilespmem:s18], [sflag:$0x2], $0x4000, s22, s21, $0x38;
	[tilespmem:$0x13200] =	vst v63  }
0x4e: {  	_ =	swait.ge [sflag:s13], $0x4000  }
0x4f: {  	[sflag:s13] =	ssyncset.done $0x0  }
0x50: {  	s26 =	sadd.s32 $0x1080, s31;
	[sflag:s13] =	ssyncadd.s32 $0xFFFFC000  }
0x51: {  	[hbm4b:s26+s21] =	stream.strided.scatter [tilespmem:s19], [sflag:$0x2], $0x4000, s22, s21, $0x38;
	[tilespmem:$0x13200] =	vst v63  }
0x52: {  	_ =	swait.ge [sflag:s13], $0x4000  }
0x53: {  	s26 =	simm.s32 $0x2000;
	[sflag:s13] =	ssyncset.done $0x0  }
.LBB2_4:
0x54: {  	p0 =	sne.s32 s26, $0x2E000;
	[sflag:s13] =	ssyncadd.s32 $0xFFFFC000;
	s25 =	sadd.s32 $0x100, s25  }
0x55: {  	[tilespmem:s18], [sflag:$0x1] =	stream.indirect.gather [hbm4b:s2+s14], $0x80, s25, s14, $0xb8;
	[tilespmem:$0x13200] =	vst v63  }
0x56: {  	s28 =	smov.u32 s26;
	s26 =	sadd.s32 $0x2000, s26  }
0x57: {  	[tilespmem:s19], [sflag:$0x1] =	stream.indirect.gather [hbm4b:s4+s14], $0x80, s25, s14, $0xb8;
	[tilespmem:$0x13200] =	vst v63  }
0x58: {  	_ =	swait.ge [sflag:s20], $0x4000  }
0x59: {  	[sflag:s20] =	ssyncset.done $0x0  }
0x5a: {  	[sflag:s20] =	ssyncadd.s32 $0xFFFFC000  }
0x5b: {  	_ =	swait.ge [sflag:s20], $0x4000  }
0x5c: {  	[sflag:s20] =	ssyncset.done $0x0  }
0x5d: {  	s29 =	sadd.s32 s28, s11;
	[sflag:s20] =	ssyncadd.s32 $0xFFFFC000  }
0x5e: {  	[hbm4b:s29+s21] =	stream.strided.scatter [tilespmem:s16], [sflag:$0x2], $0x4000, s22, s21, $0x38;
	[tilespmem:$0x13200] =	vst v63  }
0x5f: {  	_ =	swait.ge [sflag:s13], $0x4000  }
0x60: {  	[sflag:s13] =	ssyncset.done $0x0  }
0x61: {  	s29 =	sadd.s32 $0x80, s29;
	[sflag:s13] =	ssyncadd.s32 $0xFFFFC000  }
0x62: {  	[hbm4b:s29+s21] =	stream.strided.scatter [tilespmem:s17], [sflag:$0x2], $0x4000, s22, s21, $0x38;
	[tilespmem:$0x13200] =	vst v63  }
0x63: {  	_ =	swait.ge [sflag:s13], $0x4000  }
0x64: {  	[sflag:s13] =	ssyncset.done $0x0  }
0x65: {  	s29 =	sadd.s32 $0x80, s25;
	[sflag:s13] =	ssyncadd.s32 $0xFFFFC000  }
0x66: {  	[tilespmem:s16], [sflag:$0x1] =	stream.indirect.gather [hbm4b:s2+s14], $0x80, s29, s14, $0xb8;
	[tilespmem:$0x13200] =	vst v63  }
0x67: {  	_ = 	snop  }
0x68: {  	[tilespmem:s17], [sflag:$0x1] =	stream.indirect.gather [hbm4b:s4+s14], $0x80, s29, s14, $0xb8;
	[tilespmem:$0x13200] =	vst v63  }
0x69: {  	_ =	swait.ge [sflag:s20], $0x4000  }
0x6a: {  	[sflag:s20] =	ssyncset.done $0x0  }
0x6b: {  	[sflag:s20] =	ssyncadd.s32 $0xFFFFC000  }
0x6c: {  	_ =	swait.ge [sflag:s20], $0x4000  }
0x6d: {  	s28 =	sadd.s32 s28, s12;
	[sflag:s20] =	ssyncset.done $0x0  }
0x6e: {  	s29 =	sadd.s32 $0x1000, s28;
	[sflag:s20] =	ssyncadd.s32 $0xFFFFC000  }
0x6f: {  	[hbm4b:s29+s21] =	stream.strided.scatter [tilespmem:s18], [sflag:$0x2], $0x4000, s22, s21, $0x38;
	[tilespmem:$0x13200] =	vst v63  }
0x70: {  	_ =	swait.ge [sflag:s13], $0x4000  }
.Ltmp1:
0x71: {  	[sflag:s13] =	ssyncset.done $0x0;
	(pc) =	sbr.rel @p0 .LBB2_4-.Ltmp1, $4  }
0x72: {  	s28 =	sadd.s32 $0x1080, s28;
	[sflag:s13] =	ssyncadd.s32 $0xFFFFC000  }
0x73: {  	[hbm4b:s28+s21] =	stream.strided.scatter [tilespmem:s19], [sflag:$0x2], $0x4000, s22, s21, $0x38;
	[tilespmem:$0x13200] =	vst v63  }
0x74: {  	_ =	swait.ge [sflag:s13], $0x4000  }
0x75: {  	[sflag:s13] =	ssyncset.done $0x0  }
0x76: {  	[sflag:s13] =	ssyncadd.s32 $0xFFFFC000  }
0x77: {  	[tilespmem:s18], [sflag:$0x1] =	stream.indirect.gather [hbm4b:s2+s14], $0x80, s23, s14, $0xb8;
	[tilespmem:$0x13200] =	vst v63  }
0x78: {  	_ = 	snop  }
0x79: {  	[tilespmem:s19], [sflag:$0x1] =	stream.indirect.gather [hbm4b:s4+s14], $0x80, s23, s14, $0xb8;
	[tilespmem:$0x13200] =	vst v63  }
0x7a: {  	_ =	swait.ge [sflag:s20], $0x4000  }
0x7b: {  	[sflag:s20] =	ssyncset.done $0x0  }
0x7c: {  	[sflag:s20] =	ssyncadd.s32 $0xFFFFC000  }
0x7d: {  	_ =	swait.ge [sflag:s20], $0x4000  }
0x7e: {  	[sflag:s20] =	ssyncset.done $0x0  }
0x7f: {  	[sflag:s20] =	ssyncadd.s32 $0xFFFFC000  }
0x80: {  	[hbm4b:s7+s21] =	stream.strided.scatter [tilespmem:s16], [sflag:$0x2], $0x4000, s22, s21, $0x38;
	[tilespmem:$0x13200] =	vst v63  }
0x81: {  	_ =	swait.ge [sflag:s13], $0x4000  }
0x82: {  	[sflag:s13] =	ssyncset.done $0x0  }
0x83: {  	[sflag:s13] =	ssyncadd.s32 $0xFFFFC000  }
0x84: {  	[hbm4b:s8+s21] =	stream.strided.scatter [tilespmem:s17], [sflag:$0x2], $0x4000, s22, s21, $0x38;
	[tilespmem:$0x13200] =	vst v63  }
0x85: {  	_ =	swait.ge [sflag:s13], $0x4000  }
0x86: {  	[sflag:s13] =	ssyncset.done $0x0  }
0x87: {  	[sflag:s13] =	ssyncadd.s32 $0xFFFFC000  }
0x88: {  	_ =	swait.ge [sflag:s20], $0x4000  }
0x89: {  	[sflag:s20] =	ssyncset.done $0x0  }
0x8a: {  	[sflag:s20] =	ssyncadd.s32 $0xFFFFC000  }
0x8b: {  	_ =	swait.ge [sflag:s20], $0x4000  }
0x8c: {  	[sflag:s20] =	ssyncset.done $0x0  }
0x8d: {  	[sflag:s20] =	ssyncadd.s32 $0xFFFFC000  }
0x8e: {  	[hbm4b:s9+s21] =	stream.strided.scatter [tilespmem:s18], [sflag:$0x2], $0x4000, s22, s21, $0x38;
	[tilespmem:$0x13200] =	vst v63  }
0x8f: {  	s24 =	sadd.s32 $0x1, s24;
	_ =	swait.ge [sflag:s13], $0x4000  }
0x90: {  	p0 =	sne.s32 s24, s6;
	[sflag:s13] =	ssyncset.done $0x0  }
.Ltmp2:
0x91: {  	[sflag:s13] =	ssyncadd.s32 $0xFFFFC000;
	(pc) =	sbr.rel @p0 .LBB2_1-.Ltmp2, $4  }
0x92: {  	[hbm4b:s10+s21] =	stream.strided.scatter [tilespmem:s19], [sflag:$0x2], $0x4000, s22, s21, $0x38;
	[tilespmem:$0x13200] =	vst v63  }
0x93: {  	_ =	swait.ge [sflag:s13], $0x4000  }
0x94: {  	[sflag:s13] =	ssyncset.done $0x0  }
0x95: {  	[sflag:s13] =	ssyncadd.s32 $0xFFFFC000  }
0x96: {  	_ =	sfence.sel $0x180000  }
0x97: {  	[bflag:$0x0] =	sbarrier.arrive $0xFFFF  }
0x98: {  	p0 =	sne.s32 s0, $0x0;
	_ =	strace $0x90000047  }
0x99: {  	s0 =	sadd.s32 @!p0 $0x100000, s1;
	[bflag:$0x2] =	sbarrier.arrive $0xFFFF  }
0x9a: {  	[sflag:s0] =	ssyncadd.tile.s32 @!p0 $0x1;
	_ =	shalt  }
.Lfunc_end2:
_tile_overlayer_lowered:
.L_overlay_start_2:
0x9b: {  	(tag) =	ssettag $0x2  }
0x9c: {  	s0 =	rddreg [dreg:$0x0];
	s2 =	stileid.u32  }
0x9d: {  	s1 =	rddreg [dreg:$0x1];
	p0 =	sne.s32 s2, $0x0  }
0x9e: {  	s3 =	rddreg [dreg:$0x2];
	[bflag:$0x3] =	sbarrier.arrive $0xFFFF;
	s2 =	simm.s32 @!p0 $0x1C02  }
0x9f: {  	[timem:s3], [sflag:s2] =	dma.local @!p0 [hbm:s0], s1  }
0xa0: {  	s0 =	simm.s32 @!p0 $0x2  }
0xa1: {  	_ =	swait.ge @!p0 [sflag:s0], s1  }
0xa2: {  	s1 =	ssub.s32 @!p0 $0x0, s1;
	[sflag:s0] =	ssyncset.done @!p0 $0x0  }
0xa3: {  	[sflag:s0] =	ssyncadd.s32 @!p0 s1  }
0xa4: {  	[bflag:$0x3] =	sbarrier.arrive $0xFFFF  }
0xa5: {  	_ =	shalt  }

// kernel: sparse-core-data-format-call.cloned.1.call-start
scs
called_computation_lowered:
.L_overlay_start_0:
0x0: {  	s2 =	sld [smem:$0x3FD9]  }
0x1: {  	s3 =	sld [smem:$0x3FFE];
	_ =	sdelay $0x1  }
0x2: {  	s1 =	srdreg.scid  }
0x3: {  	s0 =	sand.u32 $0x1, s1  }
0x4: {  	s18 =	sshll.u32 s0, $0xA;
	s2 =	sadd.s32 s3, s2  }
0x5: {  	s2 =	sadd.s32 s2, s18  }
0x6: {  	[smem:$0x3FC3] =	sst s2  }
0x7: {  	_ = 	snop  }
0x8: {  	s2 =	sld [smem:$0x3FD0];
	(tm) =	ssettm $0x1  }
0x9: {  	s19 =	sld [smem:$0x3FFB];
	_ =	sdelay $0x3  }
0xa: {  	_ =	strace s19  }
0xb: {  	s3 =	sld [smem:$0x3FFC];
	_ =	sdelay $0x3  }
0xc: {  	_ =	strace s3  }
0xd: {  	s3 =	sld [smem:$0x3FFD];
	_ =	sdelay $0x3  }
0xe: {  	_ =	strace s3  }
0xf: {  	_ =	strace $0x8FFFFFFF  }
0x10: {  	s20 =	sld [smem:$0x3FDB];
	_ =	sdelay $0x1  }
0x11: {  	s4 =	simm.s32 $_scs_section_size  }
0x12: {  	s5 =	simm.s32 $_size__tile_overlayer_lowered;
	s6 =	simm.s32 $_tile_overlayer_lowered  }
0x13: {  	s23 =	simm.s32 $0x1BFF;
	s22 =	sshll.u32 s6, $0x1;
	s3 =	sadd.s32 s4, s20  }
0x14: {  	s7 =	simm.s32 $0x0;
	s21 =	sshll.u32 s5, $0x1;
	s5 =	sadd.s32 s22, s3  }
0x15: {  	[timem:s7], [sflag:s23] =	dma.local [hbm:s5], s21  }
0x16: {  	_ =	swait.ge [sflag:s23], s21  }
0x17: {  	s4 =	ssub.s32 $0x0, s21;
	[sflag:s23] =	ssyncset.done $0x0  }
0x18: {  	[sflag:s23] =	ssyncadd.s32 s4;
	_ =	sdelay $0x1  }
0x19: {  	s24 =	simm.s32 $0x1B8B  }
0x1a: {  	_ =	swait.ge [sflag:s24], $0x1  }
0x1b: {  	[sflag:s24] =	ssyncset.done $0x0  }
0x1c: {  	s26 =	simm.s32 $0x1B8E;
	s25 =	sld [smem:$0x3FFE];
	[sflag:s24] =	ssyncadd.s32 $0xFFFFFFFF  }
0x1d: {  	s27 =	simm.s32 $execute0_lowered;
	[smem:$0x3FD2] =	sst s26  }
0x1e: {  	s5 =	sshll.u32 s27, $0x1;
	_ =	strace $0x80000049;
	[dreg:$0x1] =	wrdreg $0xFFFFFFFF  }
0x1f: {  	s28 =	simm.s32 $_size_execute0_lowered;
	s3 =	sadd.s32 s3, s5;
	[dreg:$0x0] =	wrdreg $0x0  }
0x20: {  	s5 =	sshll.u32 s28, $0x1;
	[dreg:$0x2] =	wrdreg s3  }
0x21: {  	[dreg:$0x3] =	wrdreg s5  }
0x22: {  	[dreg:$0x4] =	wrdreg $0xC0  }
0x23: {  	_ =	task [dreg:s7], $0x5FFFF  }
0x24: {  	[dreg:$0x1] =	wrdreg $0xFFFFFFFF  }
0x25: {  	[dreg:$0x0] =	wrdreg $0x60  }
0x26: {  	[dreg:$0x2] =	wrdreg s25  }
0x27: {  	[dreg:$0x3] =	wrdreg s2  }
0x28: {  	[dreg:$0x4] =	wrdreg $0x9  }
0x29: {  	_ =	task.clear_ibuf [dreg:s7], $0x5FFFF;
	_ =	strace $0x90000049  }
0x2a: {  	s29 =	simm.s32 $0x9;
	_ =	strace $0x8000004B  }
0x2b: {  	_ =	swait.ge [sflag:s29], $0x1  }
0x2c: {  	[sflag:s29] =	ssyncadd.s32 $0xFFFFFFFF  }
0x2d: {  	_ =	strace $0x9000004B  }
0x2e: {  	_ =	sfence  }
0x2f: {  	s30 =	sld [smem:$0x0];
	_ =	sdelay $0x2  }
0x30: {  	s31 =	sshll.u32 s1, $0xD;
	s1 =	sshrl.u32 s1, $0x2  }
0x31: {  	s3 =	sand.u32 $0x4000, s31;
	s1 =	sadd.s32 s1, s30  }
0x32: {  	s0 =	sor.u32 s3, s0;
	s1 =	sshll.u32 s1, $0x11  }
0x33: {  	s0 =	sor.u32 s1, s0  }
0x34: {  	s0 =	sadd.s32 $0x8F2B, s0  }
0x35: {  	[sflag:s0] =	ssyncadd.remote.s32 $0x1  }
0x36: {  	_ =	sfence.sel $0xFFFF  }
0x37: {  	[dreg:$0x0] =	wrdreg $0xFFFFFFFF;
	(pc) =	sbr.abs _section_cstart, $3  }
0x38: {  	[dreg:$0x1] =	wrdreg $0xFFFFFFFF  }
0x39: {  	_ =	task.clear_ibuf [dreg:s7], $0x2FFFF;
	_ =	strace $0x9FFFFFFF  }
0x3a: {  	(tm) =	ssettm $0x7FFFFFFF  }
0x3b: {  	_ =	shalt  }
tec
execute0_lowered:
.L_overlay_start_1:
0x0: {  	(tag) =	ssettag $0x1  }
0x1: {  	s4 =	rddreg [dreg:$0x0]  }
0x2: {  	s0 =	stileid.u32;
	s2 =	rddreg [dreg:$0x1]  }
0x3: {  	s1 =	rddreg [dreg:$0x2];
	_ =	strace $0x8000004A;
	s10 =	srdreg.scid  }
0x4: {  	s31 =	simm.s32 $0x2;
	s18 =	simm.s32 $0x0;
	s11 =	simm.s32 $0x32000  }
0x5: {  	s19 =	simm.s32 $0x0;
	s20 =	simm.s32 $0x0;
	s12 =	simm.s32 $0x0  }
0x6: {  	s13 =	simm.s32 $0x0;
	s14 =	simm.s32 $0x0;
	s3 =	sshll.u32 s0, $0x7  }
0x7: {  	s17 =	simm.s32 $0x0;
	s4 =	sadd.s32 $0x18A00, s4;
	s3 =	sand.u32 $0x380, s3  }
0x8: {  	s5 =	sshrl.u32 s0, $0x3;
	s30 =	sshll.u32 s10, $0x7;
	s6 =	ssub.s32 $0x400, s3  }
0x9: {  	s8 =	ssub.s32 $0xC8, s5;
	s7 =	sshrl.u32 s6, $0xA;
	s6 =	sand.u32 $0x380, s6  }
0xa: {  	s9 =	sshrl.u32 s8, $0x1;
	p0 =	sne.s32 s6, $0x0;
	s6 =	simm.s32 $0x1  }
.Ltmp0:
0xb: {  	s8 =	sand.u32 $0x1, s8;
	s6 =	simm.s32 @!p0 $0x0;
	(pc) =	sbr.rel .LBB1_1-.Ltmp0, $4  }
0xc: {  	s15 =	smov.u32 s5;
	s8 =	sadd.s32 s8, s9;
	s7 =	sadd.s32 s6, s7  }
0xd: {  	s16 =	smov.u32 s3;
	s6 =	simm.s32 $0x1;
	s7 =	smul.u32 s8, s7  }
0xe: {  	p0 =	por $0x0, $0x0;
	s8 =	sand.u32 $0x80, s30;
	[sflag:s6] =	ssyncpa.u1 $0x0  }
0xf: {  	[sflag:s31] =	ssyncpa.u1 $0x0;
	s9 =	sshll.u32 s8, $0x3;
	s10 =	sadd.s32 $0x1, s7  }
.LBB1_4:
0x10: {  	[tilespmem:s23+$0x2040 ss:$0x81] =	vst.msk $0xffff, v4  }
0x11: {  	[tilespmem:s23+$0x2850 ss:$0x81] =	vst.msk $0xffff, v3  }
0x12: {  	s25 =	sshra.s32 s25, $0x2;
	s26 =	sshll.u32 s13, $0xA;
	s27 =	sshll.u32 s14, $0x3;
	[tilespmem:s23+$0x3060 ss:$0x81] =	vst.msk $0xffff, v2  }
0x13: {  	p1 =	sgt.s32 s14, $0x380;
	s29 =	sshra.s32 s14, $0x1F;
	[tilespmem:s23+$0x0 ss:$0x81] =	vst.msk $0xffff, v1;
	s23 =	smov.u32 s12  }
0x14: {  	s24 =	sadd.s32 s25, s24;
	s26 =	sand.u32 $0xFFFFE000, s26;
	s28 =	sand.u32 $0xFFFFFC00, s27  }
0x15: {  	s27 =	sand.u32 s29, s14;
	s29 =	sshra.s32 s13, $0x1F;
	s25 =	sadd.s32 s28, s26  }
0x16: {  	s26 =	smov.u32 s14;
	s28 =	smov.u32 s13;
	s29 =	sand.u32 s29, s13  }
0x17: {  	v5 =	vld [tilespmem:s22+$0xFFFFFFD0];
	s25 =	sshrl.u32 s25, $0xA;
	s26 =	simm.s32 @!p1 $0x380;
	p1 =	sgt.s32 s13, $0xC7  }
0x18: {  	v58 =	vld [tilespmem:s22+$0xFFFFFFE0];
	s26 =	ssub.s32 s26, s27;
	s27 =	smulhi.u32 $0x147AE15, s25;
	s28 =	simm.s32 @!p1 $0xC7  }
0x19: {  	v59 =	vld [tilespmem:s22+$0xFFFFFFF0];
	p1 =	sgt.s32 s12, $0x5D;
	s28 =	ssub.s32 s28, s29;
	s30 =	sadd.s32 $0xFFFFFC80, s26  }
0x1a: {  	v60 =	vld [tilespmem:s22+$0x0];
	s26 =	ssub.s32 $0x400, s26;
	s23 =	simm.s32 @!p1 $0x5D;
	s29 =	sand.u32 $0x78, s14  }
0x1b: {  	v61 =	vld [tilespmem:s22+$0x10];
	[tilespmem:s24+$0x3870 ss:$0x81] =	vst.msk $0xffff, v0;
	p2 =	sgt.s32 s30, $0x7F;
	s31 =	sadd.s32 $0xFFFFFF39, s28;
	s27 =	smul.u32 $0xC8, s27  }
0x1c: {  	v62 =	vld [tilespmem:s22+$0x20];
	[tilespmem:s24+$0x810 ss:$0x81] =	vst.msk $0xffff, v5;
	s23 =	ssub.s32 $0xDD, s23;
	s30 =	sshll.u32 s13, $0x7;
	s28 =	ssub.s32 $0xC8, s28  }
0x1d: {  	v63 =	vld [tilespmem:s22+$0xFFFFFFC0];
	[tilespmem:s24+$0x1020 ss:$0x81] =	vst.msk $0xffff, v58;
	s26 =	simm.s32 @p2 $0x0;
	p1 =	sgt.s32 s31, $0x0;
	s31 =	smul.u32 $0x6400, s12  }
0x1e: {  	[tilespmem:s24+$0x1830 ss:$0x81] =	vst.msk $0xffff, v59;
	s22 =	sand.u32 $0x380, s30;
	s23 =	smul.u32 s23, s26;
	s28 =	simm.s32 @p1 $0x0  }
0x1f: {  	[tilespmem:s24+$0x2040 ss:$0x81] =	vst.msk $0xffff, v60;
	s22 =	sor.u32 s29, s22;
	s25 =	ssub.s32 s25, s27;
	s29 =	sand.u32 $0x7, s14  }
0x20: {  	[tilespmem:s24+$0x2850 ss:$0x81] =	vst.msk $0xffff, v61;
	s22 =	sshrl.u32 s22, $0x3;
	s26 =	sadd.s32 s2, s31;
	s23 =	smul.u32 s28, s23  }
0x21: {  	[tilespmem:s24+$0x3060 ss:$0x81] =	vst.msk $0xffff, v62;
	s25 =	sshll.u32 s25, $0x7;
	s30 =	sshll.u32 s29, $0x12;
	s22 =	sadd.s32 s22, s26  }
0x22: {  	[tilespmem:s24+$0x0 ss:$0x81] =	vst.msk $0xffff, v63;
	s31 =	sor.u32 $0x80, s30;
	s22 =	sadd.s32 s25, s22;
	s23 =	sand.u32 $0x3FFFFFFF, s23  }
0x23: {  	[hbm4b:s22+s31] =	stream.strided.scatter [tilespmem:s21], [sflag:$0x2], s23, s11, s31, $0x20;
	[tilespmem:$0x10100] =	vst v63  }
.LBB1_5:
0x24: {  	p1 =	slt.u32 s17, $0x2;
	s21 =	smov.u32 s19  }
0x25: {  	s22 =	smov.u32 s20;
	p2 =	sgt.s32 @!p1 s19, $0xC7;
	p3 =	sgt.s32 @!p1 s20, $0x380  }
0x26: {  	s23 =	sshra.s32 @!p1 s20, $0x1F;
	p2 =	por !p2, p1;
	p3 =	por !p3, p1  }
0x27: {  	s20 =	sand.u32 @!p1 s23, s20;
	s21 =	simm.s32 @p2 $0xC7;
	s22 =	simm.s32 @p3 $0x380  }
0x28: {  	p2 =	sgt.s32 @!p1 s18, $0x5D;
	s20 =	ssub.s32 @!p1 s22, s20;
	s22 =	sshra.s32 @!p1 s19, $0x1F  }
0x29: {  	p2 =	por !p2, p1;
	s19 =	sand.u32 @!p1 s22, s19;
	s22 =	sadd.s32 @!p1 $0xFFFFFC80, s20  }
0x2a: {  	s18 =	simm.s32 @p2 $0x5D;
	s19 =	ssub.s32 @!p1 s21, s19;
	p2 =	sgt.s32 @!p1 s22, $0x7F  }
0x2b: {  	s20 =	ssub.s32 @!p1 $0x400, s20;
	s21 =	sadd.s32 @!p1 $0xFFFFFF39, s19;
	p2 =	por !p2, p1  }
0x2c: {  	s18 =	ssub.s32 @!p1 $0xDD, s18;
	s20 =	simm.s32 @!p2 $0x0;
	p2 =	sgt.s32 @!p1 s21, $0x0  }
0x2d: {  	s19 =	ssub.s32 @!p1 $0xC8, s19;
	p2 =	por !p2, p1;
	s18 =	smul.u32 @!p1 s18, s20  }
0x2e: {  	s23 =	smov.u32 s16;
	s21 =	sadd.s32 $0x2, s15;
	s19 =	simm.s32 @!p2 $0x0  }
0x2f: {  	p2 =	sgt.s32 s21, $0xC7;
	s18 =	smul.u32 @!p1 s19, s18;
	s19 =	sadd.s32 $0x400, s16  }
0x30: {  	s25 =	sadd.s32 $0x1, s17;
	s23 =	smov.u32 @p2 s19  }
0x31: {  	p0 =	por !p0, !p0;
	s21 =	smov.u32 @p2 s5;
	p2 =	sgt.s32 s23, $0x3FF  }
0x32: {  	s22 =	simm.s32 @!p1 $0x2;
	s23 =	smov.u32 @p2 s3;
	p2 =	sne.s32 s17, s10  }
.Ltmp1:
0x33: {  	s20 =	smov.u32 s14;
	s14 =	smov.u32 s16;
	(pc) =	sbr.rel @!p2 .LBB1_6-.Ltmp1, $4  }
0x34: {  	s19 =	smov.u32 s13;
	s13 =	smov.u32 s15;
	s18 =	sand.u32 @!p1 $0x3FFFFFFF, s18  }
0x35: {  	s15 =	smov.u32 s21;
	_ =	swait.ge @!p1 [sflag:s22], s18;
	s24 =	ssub.s32 @!p1 $0x0, s18  }
0x36: {  	s18 =	smov.u32 s12;
	s12 =	smov.u32 s8;
	[sflag:s22] =	ssyncset.done @!p1 $0x0  }
0x37: {  	s17 =	smov.u32 s25;
	s16 =	smov.u32 s23;
	[sflag:s22] =	ssyncadd.s32 @!p1 s24  }
.LBB1_1:
0x38: {  	p1 =	sge.u32 s17, s7  }
0x39: {  	s21 =	sshll.u32 @!p1 s15, $0x8  }
0x3a: {  	s22 =	sshll.u32 @!p1 s15, $0x7;
	s21 =	sand.u32 @!p1 $0xFFFFF800, s21  }
0x3b: {  	s22 =	sand.u32 @!p1 $0x300, s22;
	s21 =	sor.u32 @!p1 s9, s21  }
0x3c: {  	s21 =	sor.u32 @!p1 s22, s21  }
0x3d: {  	s21 =	sshrl.u32 @!p1 s21, $0x8  }
0x3e: {  	s22 =	smulhi.u32 @!p1 $0x147AE15, s21;
	_ =	sdelay $0x1  }
0x3f: {  	s22 =	smul.u32 @!p1 $0xC8, s22  }
0x40: {  	s31 =	sadd.s32 $0xFFFFFFFF, s17;
	s23 =	smul.u32 @!p1 $0x1900, s16  }
0x41: {  	s24 =	sxor.u32 @!p1 $0xFFFFFFFF, s17;
	s21 =	ssub.s32 @!p1 s21, s22;
	s22 =	sshll.u32 @!p1 s15, $0x4  }
0x42: {  	s24 =	sshll.u32 @!p1 s24, $0xE;
	s23 =	sadd.s32 @!p1 s4, s23;
	s22 =	sand.u32 @!p1 $0x10, s22  }
0x43: {  	s24 =	sand.u32 @!p1 $0x4000, s24;
	s21 =	sshll.u32 @!p1 s21, $0x5;
	s22 =	sadd.s32 @!p1 s22, s23  }
0x44: {  	s23 =	simm.s32 @!p1 $0xC800;
	s21 =	sadd.s32 @!p1 s21, s22;
	s22 =	simm.s32 @!p1 $0x80  }
0x45: {  	[tilespmem:s24], [sflag:$0x1] =	stream.strided.gather @!p1 [hbm4b:s21+s22], $0x4000, s23, s22, $0x38;
	[tilespmem:$0x10100] =	vst v63  }
0x46: {  	p1 =	sge.u32 s31, s7  }
.Ltmp2:
0x47: {  	_ = 	snop;
	(pc) =	sbr.rel @p1 .LBB1_5-.Ltmp2, $1  }
0x48: {  	_ =	sdelay $0x3  }
0x49: {  	s21 =	simm.s32 $0x1  }
0x4a: {  	_ =	swait.ge [sflag:s6], $0x4000;
	s21 =	simm.s32 @!p0 $0x0  }
0x4b: {  	[sflag:s6] =	ssyncset.done $0x0;
	s22 =	sshll.u32 s21, $0xE  }
0x4c: {  	[sflag:s6] =	ssyncadd.s32 $0xFFFFC000;
	s22 =	sor.u32 $0x40, s22  }
0x4d: {  	s21 =	smul.u32 $0x10200, s21;
	v0 =	vld [tilespmem:s22+$0x30]  }
0x4e: {  	v1 =	vld [tilespmem:s22+$0xFFFFFFD0]  }
0x4f: {  	s21 =	sshrl.u32 s21, $0x2;
	v5 =	vld [tilespmem:s22+$0xFFFFFFE0]  }
0x50: {  	v6 =	vld [tilespmem:s22+$0xFFFFFFF0];
	s24 =	sor.u32 $0x8000, s21  }
0x51: {  	s31 =	sand.u32 $0x1, s17;
	v4 =	vld [tilespmem:s22+$0x0];
	s23 =	sadd.s32 $0x0, s24  }
0x52: {  	v3 =	vld [tilespmem:s22+$0x10];
	s21 =	smul.u32 $0x10200, s31;
	[tilespmem:s23+$0x3870 ss:$0x81] =	vst.msk $0xffff, v0  }
0x53: {  	v2 =	vld [tilespmem:s22+$0x20];
	[tilespmem:s23+$0x810 ss:$0x81] =	vst.msk $0xffff, v1  }
0x54: {  	s21 =	sshrl.u32 s21, $0x2;
	v1 =	vld [tilespmem:s22+$0xFFFFFFC0];
	[tilespmem:s23+$0x1020 ss:$0x81] =	vst.msk $0xffff, v5;
	s22 =	sadd.s32 $0x80, s22  }
0x55: {  	s25 =	simm.s32 $0x4;
	s26 =	simm.s32 $0x8;
	s21 =	sor.u32 $0x8000, s21;
	[tilespmem:s23+$0x1830 ss:$0x81] =	vst.msk $0xffff, v6;
	v0 =	vld [tilespmem:s22+$0x30]  }
.LBB1_3:
0x56: {  	p1 =	sne.s32 s26, $0x1FC;
	v5 =	vld [tilespmem:s22+$0xFFFFFFD0];
	[tilespmem:s23+$0x2040 ss:$0x81] =	vst.msk $0xffff, v4  }
0x57: {  	v6 =	vld [tilespmem:s22+$0xFFFFFFE0];
	[tilespmem:s23+$0x2850 ss:$0x81] =	vst.msk $0xffff, v3  }
0x58: {  	s27 =	sshra.s32 s25, $0x2;
	s25 =	smov.u32 s26;
	v7 =	vld [tilespmem:s22+$0xFFFFFFF0];
	[tilespmem:s23+$0x3060 ss:$0x81] =	vst.msk $0xffff, v2  }
.Ltmp3:
0x59: {  	v4 =	vld [tilespmem:s22+$0x0];
	[tilespmem:s23+$0x0 ss:$0x81] =	vst.msk $0xffff, v1;
	s23 =	sadd.s32 s27, s24;
	(pc) =	sbr.rel @p1 .LBB1_3-.Ltmp3, $4  }
0x5a: {  	v3 =	vld [tilespmem:s22+$0x10];
	[tilespmem:s23+$0x3870 ss:$0x81] =	vst.msk $0xffff, v0  }
0x5b: {  	[tilespmem:s23+$0x810 ss:$0x81] =	vst.msk $0xffff, v5;
	v2 =	vld [tilespmem:s22+$0x20]  }
0x5c: {  	v1 =	vld [tilespmem:s22+$0xFFFFFFC0];
	[tilespmem:s23+$0x1020 ss:$0x81] =	vst.msk $0xffff, v6;
	s22 =	sadd.s32 $0x80, s22  }
0x5d: {  	s26 =	sadd.s32 $0x4, s26;
	v0 =	vld [tilespmem:s22+$0x30];
	[tilespmem:s23+$0x1830 ss:$0x81] =	vst.msk $0xffff, v7  }
.Ltmp4:
0x5e: {  	_ = 	snop;
	(pc) =	sbr.rel .LBB1_4-.Ltmp4, $1  }
0x5f: {  	_ =	sdelay $0x3  }
.LBB1_6:
0x60: {  	_ =	sfence.sel $0x180000  }
0x61: {  	s2 =	simm.s32 $0x1;
	[bflag:$0x0] =	sbarrier.arrive $0xFFFF  }
0x62: {  	s31 =	simm.s32 $0x2;
	[sflag:s2] =	ssyncpa.u1 $0x1  }
0x63: {  	[sflag:s31] =	ssyncpa.u1 $0x1  }
0x64: {  	p0 =	sne.s32 s0, $0x0;
	_ =	strace $0x9000004A  }
0x65: {  	s0 =	sadd.s32 @!p0 $0x100000, s1;
	[bflag:$0x2] =	sbarrier.arrive $0xFFFF  }
0x66: {  	[sflag:s0] =	ssyncadd.tile.s32 @!p0 $0x1;
	_ =	shalt  }
.Lfunc_end1:
_tile_overlayer_lowered:
.L_overlay_start_2:
0x67: {  	(tag) =	ssettag $0x2  }
0x68: {  	s0 =	rddreg [dreg:$0x0];
	s2 =	stileid.u32  }
0x69: {  	s1 =	rddreg [dreg:$0x1];
	p0 =	sne.s32 s2, $0x0  }
0x6a: {  	s3 =	rddreg [dreg:$0x2];
	[bflag:$0x3] =	sbarrier.arrive $0xFFFF;
	s2 =	simm.s32 @!p0 $0x1C01  }
0x6b: {  	[timem:s3], [sflag:s2] =	dma.local @!p0 [hbm:s0], s1  }
0x6c: {  	s0 =	simm.s32 @!p0 $0x1  }
0x6d: {  	_ =	swait.ge @!p0 [sflag:s0], s1  }
0x6e: {  	s1 =	ssub.s32 @!p0 $0x0, s1;
	[sflag:s0] =	ssyncset.done @!p0 $0x0  }
0x6f: {  	[sflag:s0] =	ssyncadd.s32 @!p0 s1  }
0x70: {  	[bflag:$0x3] =	sbarrier.arrive $0xFFFF  }
0x71: {  	_ =	shalt  }

</sc_bundles>
